<compile_context>
chip_gen: v7x
topology: tpu7x:2x2x1
jax: 0.10.2.dev20260603
libtpu: 0.0.44.dev20260713+nightly
codegen_flags: <defaults>
</compile_context>

<pallas_src>
import dataclasses
import functools

import jax
import jax.numpy as jnp
from jax import lax
from jax.experimental import pallas as pl
from jax.experimental.pallas import tpu as pltpu
from jax.experimental.pallas import tpu_sc as plsc

NUM_EXP = 8
LANES = 16


def _logits_body(x_ref, w_ref, b_ref, o_ref):
    blk = x_ref.shape[0]
    lgt = lax.dot_general(
        w_ref[...], x_ref[...], (((1,), (1,)), ((), ())),
        preferred_element_type=jnp.float32,
    ) + b_ref[...]
    for j in range(blk // 128):
        o_ref[j] = lgt[:, j * 128:(j + 1) * 128]


def _tc_logits(x2d, W, b2d, blk):
    T, D = x2d.shape
    E = W.shape[0]
    return pl.pallas_call(
        _logits_body,
        grid=(T // blk,),
        in_specs=[
            pl.BlockSpec((blk, D), lambda i: (i, 0)),
            pl.BlockSpec((E, D), lambda i: (0, 0)),
            pl.BlockSpec((E, 1), lambda i: (0, 0)),
        ],
        out_specs=pl.BlockSpec((blk // 128, E, 128), lambda i: (i, 0, 0)),
        out_shape=jax.ShapeDtypeStruct((T // 128, E, 128), jnp.float32),
    )(x2d, W, b2d)


def _sc_select(lg3):
    C, E, _ = lg3.shape
    mesh = plsc.VectorSubcoreMesh(core_axis_name="c", subcore_axis_name="s")
    nw = mesh.num_cores * mesh.num_subcores
    cpw = C // nw

    cp = dataclasses.replace(
        pltpu.CompilerParams(),
        needs_layout_passes=False,
        use_tc_tiling_on_sc=False,
    )

    @functools.partial(
        pl.kernel,
        compiler_params=cp,
        out_type=(
            jax.ShapeDtypeStruct((C, 2, 128), jnp.float32),
            jax.ShapeDtypeStruct((C, 2, 128), jnp.int32),
        ),
        mesh=mesh,
        scratch_types=[
            pltpu.VMEM((cpw, E, 128), jnp.float32),
            pltpu.VMEM((cpw, 2, 128), jnp.float32),
            pltpu.VMEM((cpw, 2, 128), jnp.int32),
        ],
    )
    def k(lg_hbm, w_hbm, e_hbm, lg_v, w_v, e_v):
        wid = lax.axis_index("s") * mesh.num_cores + lax.axis_index("c")
        pltpu.sync_copy(lg_hbm.at[pl.ds(wid * cpw, cpw)], lg_v)

        @pl.loop(0, cpw)
        def _(c):
            @pl.loop(0, 128, step=LANES)
            def _(l0):
                l = [lg_v[c, e, pl.ds(l0, LANES)] for e in range(E)]
                m1 = l[0]
                for e in range(1, E):
                    m1 = jnp.maximum(m1, l[e])
                i1 = jnp.zeros((LANES,), jnp.int32)
                for e in range(E - 1, -1, -1):
                    i1 = jnp.where(l[e] == m1, jnp.int32(e), i1)
                neg = jnp.float32(-jnp.inf)
                m2 = jnp.where(i1 == 0, neg, l[0])
                for e in range(1, E):
                    m2 = jnp.maximum(m2, jnp.where(i1 == e, neg, l[e]))
                i2 = jnp.zeros((LANES,), jnp.int32)
                for e in range(E - 1, -1, -1):
                    i2 = jnp.where((l[e] == m2) & (i1 != e), jnp.int32(e), i2)
                r = jnp.exp(m2 - m1)
                w1 = 1.0 / (1.0 + r)
                w2 = r / (1.0 + r)
                w_v[c, 0, pl.ds(l0, LANES)] = w1
                w_v[c, 1, pl.ds(l0, LANES)] = w2
                e_v[c, 0, pl.ds(l0, LANES)] = i1
                e_v[c, 1, pl.ds(l0, LANES)] = i2

        pltpu.sync_copy(w_v, w_hbm.at[pl.ds(wid * cpw, cpw)])
        pltpu.sync_copy(e_v, e_hbm.at[pl.ds(wid * cpw, cpw)])

    return k(lg3)


def kernel(hidden_states, W, b):
    B, S, D = hidden_states.shape
    T = B * S
    x2d = hidden_states.reshape(T, D)
    lg3 = _tc_logits(x2d, W, b.reshape(NUM_EXP, 1), blk=4096)
    wf, ef = _sc_select(lg3)
    wo = wf.transpose(0, 2, 1).reshape(T, 2)
    eo = ef.transpose(0, 2, 1).reshape(T, 2)
    return wo, eo

# --- scband reference (transcript-rebuilt; emitter-appended) ---
"""Pipeline reference for scband-router-80642305950274 (READ-ONLY COPY).

The authoritative reference and input builder live on the scoring server;
editing this copy changes nothing except your own understanding.
"""

import jax, jax.numpy as jnp
import numpy as np

NUM_EXPERTS = 8
TOP_K = 2

def setup_inputs(seed: int = 0) -> dict:
    key = jax.random.key(seed)
    k1, k2 = jax.random.split(key, 2)
    hidden_states = jax.random.normal(k1, (4, 8192, 768), dtype=jnp.float32)
    # nn.Linear(hidden_size, num_experts): weight [E, D], bias [E]
    W = jax.random.normal(k2, (NUM_EXPERTS, 768), dtype=jnp.float32) * 0.02
    b = jnp.zeros((NUM_EXPERTS,), dtype=jnp.float32)
    return {"hidden_states": hidden_states, "W": W, "b": b}

def reference(hidden_states, W, b):
    batch_size, sequence_length, hidden_dim = hidden_states.shape
    x = hidden_states.reshape(-1, hidden_dim)
    logits = x @ W.T + b
    routing_weights = jax.nn.softmax(logits.astype(jnp.float32), axis=1)
    routing_weights, selected_experts = jax.lax.top_k(routing_weights, TOP_K)
    routing_weights = routing_weights / jnp.sum(routing_weights, axis=-1, keepdims=True)
    return (routing_weights, selected_experts)

if __name__ == "__main__":
    import jax
    _d = setup_inputs()
    print(jax.jit(kernel)(*tuple(_d.values())))

</pallas_src>

<mosaic_0001>
#map = affine_map<(d0, d1) -> (0, 0, 0)>
module attributes {stable_mosaic.version = 14 : i64} {
  func.func @k(%arg0: i32, %arg1: i32, %arg2: memref<256x8x128xf32, #tpu.memory_space<hbm>>, %arg3: memref<256x2x128xf32, #tpu.memory_space<hbm>>, %arg4: memref<256x2x128xi32, #tpu.memory_space<hbm>>, %arg5: memref<8x8x128xf32, #tpu.memory_space<vmem>>, %arg6: memref<8x2x128xf32, #tpu.memory_space<vmem>>, %arg7: memref<8x2x128xi32, #tpu.memory_space<vmem>>) attributes {dimension_semantics = [#tpu.dimension_semantics<core_parallel>, #tpu.dimension_semantics<subcore_parallel>], iteration_bounds = array<i64: 2, 16>, scalar_prefetch = 0 : i64, scratch_operands = 3 : i64, tpu.core_type = #tpu.core_type<sc_vector_subcore>, window_params = [{transform_indices = #map}, {transform_indices = #map}, {transform_indices = #map}]} {
    %mul3A = arith.constant 2 : i32
    %mul3A_0 = arith.muli %arg1, %mul3A : i32
    %add3A = arith.addi %mul3A_0, %arg0 : i32
    %mul3A_1 = arith.constant 8 : i32
    %mul3A_2 = arith.muli %add3A, %mul3A_1 : i32
    "tpu.region"() ({
      %run_scoped3A = tpu.sem_alloc : memref<!tpu.dma_semaphore, #tpu.memory_space<semaphore_mem>>
      %dma_start3A = arith.constant 0 : i32
      %dma_start3A_11 = arith.constant 0 : i32
      %dma_start3A_12 = tpu.memref_slice %arg2[%mul3A_2, %dma_start3A, %dma_start3A_11] : memref<256x8x128xf32, #tpu.memory_space<hbm>> -> memref<8x8x128xf32, #tpu.memory_space<hbm>>
      %dma_start3A_13 = arith.constant 0 : i32
      %dma_start3A_14 = arith.constant 0 : i32
      %dma_start3A_15 = tpu.memref_slice %arg2[%mul3A_2, %dma_start3A_13, %dma_start3A_14] : memref<256x8x128xf32, #tpu.memory_space<hbm>> -> memref<8x8x128xf32, #tpu.memory_space<hbm>>
      tpu.enqueue_dma source(%dma_start3A_15 : memref<8x8x128xf32, #tpu.memory_space<hbm>>) target(%arg5 : memref<8x8x128xf32, #tpu.memory_space<vmem>>) target_semaphore(%run_scoped3A : memref<!tpu.dma_semaphore, #tpu.memory_space<semaphore_mem>>)
      %dma_wait3A = arith.constant 0 : i32
      %dma_wait3A_16 = arith.constant 0 : i32
      %dma_wait3A_17 = tpu.memref_slice %arg2[%mul3A_2, %dma_wait3A, %dma_wait3A_16] : memref<256x8x128xf32, #tpu.memory_space<hbm>> -> memref<8x8x128xf32, #tpu.memory_space<hbm>>
      %dma_wait3A_18 = arith.constant 0 : i32
      %dma_wait3A_19 = arith.constant 0 : i32
      %dma_wait3A_20 = tpu.memref_slice %arg2[%mul3A_2, %dma_wait3A_18, %dma_wait3A_19] : memref<256x8x128xf32, #tpu.memory_space<hbm>> -> memref<8x8x128xf32, #tpu.memory_space<hbm>>
      tpu.wait_dma2 semaphore(%run_scoped3A : memref<!tpu.dma_semaphore, #tpu.memory_space<semaphore_mem>>) src(%dma_wait3A_20 : memref<8x8x128xf32, #tpu.memory_space<hbm>>) dst(%arg5 : memref<8x8x128xf32, #tpu.memory_space<vmem>>)
      tpu.yield
    }) : () -> ()
    %scan3A = arith.constant 0 : i32
    %scan3A_3 = arith.constant 8 : i32
    %scan3A_4 = arith.addi %scan3A, %scan3A_3 : i32
    %scan3A_5 = arith.constant 1 : i32
    scf.for %scan3A_11 = %scan3A to %scan3A_4 step %scan3A_5  : i32 {
      %mul3A_12 = arith.constant 1 : i32
      %mul3A_13 = arith.muli %scan3A_11, %mul3A_12 : i32
      %add3A_14 = arith.constant 0 : i32
      %add3A_15 = arith.addi %add3A_14, %mul3A_13 : i32
      %scan3A_16 = arith.constant 0 : i32
      %scan3A_17 = arith.constant 8 : i32
      %scan3A_18 = arith.addi %scan3A_16, %scan3A_17 : i32
      %scan3A_19 = arith.constant 1 : i32
      scf.for %scan3A_21 = %scan3A_16 to %scan3A_18 step %scan3A_19  : i32 {
        %mul3A_22 = arith.constant 16 : i32
        %mul3A_23 = arith.muli %scan3A_21, %mul3A_22 : i32
        %add3A_24 = arith.constant 0 : i32
        %add3A_25 = arith.addi %add3A_24, %mul3A_23 : i32
        %get3A = arith.constant 0 : i32
        %get3A_26 = arith.index_cast %add3A_15 : i32 to index
        %get3A_27 = arith.index_cast %get3A : i32 to index
        %get3A_28 = arith.index_cast %add3A_25 : i32 to index
        %get3A_29 = tpu.vector_load %arg5[%get3A_26, %get3A_27, %get3A_28] {strides = array<i32>} : memref<8x8x128xf32, #tpu.memory_space<vmem>>, vector<16xf32>,
        %get3A_30 = arith.constant 1 : i32
        %get3A_31 = arith.index_cast %add3A_15 : i32 to index
        %get3A_32 = arith.index_cast %get3A_30 : i32 to index
        %get3A_33 = arith.index_cast %add3A_25 : i32 to index
        %get3A_34 = tpu.vector_load %arg5[%get3A_31, %get3A_32, %get3A_33] {strides = array<i32>} : memref<8x8x128xf32, #tpu.memory_space<vmem>>, vector<16xf32>,
        %get3A_35 = arith.constant 2 : i32
        %get3A_36 = arith.index_cast %add3A_15 : i32 to index
        %get3A_37 = arith.index_cast %get3A_35 : i32 to index
        %get3A_38 = arith.index_cast %add3A_25 : i32 to index
        %get3A_39 = tpu.vector_load %arg5[%get3A_36, %get3A_37, %get3A_38] {strides = array<i32>} : memref<8x8x128xf32, #tpu.memory_space<vmem>>, vector<16xf32>,
        %get3A_40 = arith.constant 3 : i32
        %get3A_41 = arith.index_cast %add3A_15 : i32 to index
        %get3A_42 = arith.index_cast %get3A_40 : i32 to index
        %get3A_43 = arith.index_cast %add3A_25 : i32 to index
        %get3A_44 = tpu.vector_load %arg5[%get3A_41, %get3A_42, %get3A_43] {strides = array<i32>} : memref<8x8x128xf32, #tpu.memory_space<vmem>>, vector<16xf32>,
        %get3A_45 = arith.constant 4 : i32
        %get3A_46 = arith.index_cast %add3A_15 : i32 to index
        %get3A_47 = arith.index_cast %get3A_45 : i32 to index
        %get3A_48 = arith.index_cast %add3A_25 : i32 to index
        %get3A_49 = tpu.vector_load %arg5[%get3A_46, %get3A_47, %get3A_48] {strides = array<i32>} : memref<8x8x128xf32, #tpu.memory_space<vmem>>, vector<16xf32>,
        %get3A_50 = arith.constant 5 : i32
        %get3A_51 = arith.index_cast %add3A_15 : i32 to index
        %get3A_52 = arith.index_cast %get3A_50 : i32 to index
        %get3A_53 = arith.index_cast %add3A_25 : i32 to index
        %get3A_54 = tpu.vector_load %arg5[%get3A_51, %get3A_52, %get3A_53] {strides = array<i32>} : memref<8x8x128xf32, #tpu.memory_space<vmem>>, vector<16xf32>,
        %get3A_55 = arith.constant 6 : i32
        %get3A_56 = arith.index_cast %add3A_15 : i32 to index
        %get3A_57 = arith.index_cast %get3A_55 : i32 to index
        %get3A_58 = arith.index_cast %add3A_25 : i32 to index
        %get3A_59 = tpu.vector_load %arg5[%get3A_56, %get3A_57, %get3A_58] {strides = array<i32>} : memref<8x8x128xf32, #tpu.memory_space<vmem>>, vector<16xf32>,
        %get3A_60 = arith.constant 7 : i32
        %get3A_61 = arith.index_cast %add3A_15 : i32 to index
        %get3A_62 = arith.index_cast %get3A_60 : i32 to index
        %get3A_63 = arith.index_cast %add3A_25 : i32 to index
        %get3A_64 = tpu.vector_load %arg5[%get3A_61, %get3A_62, %get3A_63] {strides = array<i32>} : memref<8x8x128xf32, #tpu.memory_space<vmem>>, vector<16xf32>,
        %max3A = arith.maximumf %get3A_29, %get3A_34 : vector<16xf32>
        %max3A_65 = arith.maximumf %max3A, %get3A_39 : vector<16xf32>
        %max3A_66 = arith.maximumf %max3A_65, %get3A_44 : vector<16xf32>
        %max3A_67 = arith.maximumf %max3A_66, %get3A_49 : vector<16xf32>
        %max3A_68 = arith.maximumf %max3A_67, %get3A_54 : vector<16xf32>
        %max3A_69 = arith.maximumf %max3A_68, %get3A_59 : vector<16xf32>
        %max3A_70 = arith.maximumf %max3A_69, %get3A_64 : vector<16xf32>
        %broadcast_in_dim3A = arith.constant 0 : i32
        %broadcast_in_dim3A_71 = vector.broadcast %broadcast_in_dim3A : i32 to vector<16xi32>
        %eq3A = arith.cmpf oeq, %get3A_64, %max3A_70 : vector<16xf32>
        %jit3A = arith.constant 7 : i32
        %broadcast_in_dim3A_72 = vector.broadcast %jit3A : i32 to vector<16xi32>
        %select_n3A = arith.select %eq3A, %broadcast_in_dim3A_72, %broadcast_in_dim3A_71 : vector<16xi1>, vector<16xi32>
        %eq3A_73 = arith.cmpf oeq, %get3A_59, %max3A_70 : vector<16xf32>
        %jit3A_74 = arith.constant 6 : i32
        %broadcast_in_dim3A_75 = vector.broadcast %jit3A_74 : i32 to vector<16xi32>
        %select_n3A_76 = arith.select %eq3A_73, %broadcast_in_dim3A_75, %select_n3A : vector<16xi1>, vector<16xi32>
        %eq3A_77 = arith.cmpf oeq, %get3A_54, %max3A_70 : vector<16xf32>
        %jit3A_78 = arith.constant 5 : i32
        %broadcast_in_dim3A_79 = vector.broadcast %jit3A_78 : i32 to vector<16xi32>
        %select_n3A_80 = arith.select %eq3A_77, %broadcast_in_dim3A_79, %select_n3A_76 : vector<16xi1>, vector<16xi32>
        %eq3A_81 = arith.cmpf oeq, %get3A_49, %max3A_70 : vector<16xf32>
        %jit3A_82 = arith.constant 4 : i32
        %broadcast_in_dim3A_83 = vector.broadcast %jit3A_82 : i32 to vector<16xi32>
        %select_n3A_84 = arith.select %eq3A_81, %broadcast_in_dim3A_83, %select_n3A_80 : vector<16xi1>, vector<16xi32>
        %eq3A_85 = arith.cmpf oeq, %get3A_44, %max3A_70 : vector<16xf32>
        %jit3A_86 = arith.constant 3 : i32
        %broadcast_in_dim3A_87 = vector.broadcast %jit3A_86 : i32 to vector<16xi32>
        %select_n3A_88 = arith.select %eq3A_85, %broadcast_in_dim3A_87, %select_n3A_84 : vector<16xi1>, vector<16xi32>
        %eq3A_89 = arith.cmpf oeq, %get3A_39, %max3A_70 : vector<16xf32>
        %jit3A_90 = arith.constant 2 : i32
        %broadcast_in_dim3A_91 = vector.broadcast %jit3A_90 : i32 to vector<16xi32>
        %select_n3A_92 = arith.select %eq3A_89, %broadcast_in_dim3A_91, %select_n3A_88 : vector<16xi1>, vector<16xi32>
        %eq3A_93 = arith.cmpf oeq, %get3A_34, %max3A_70 : vector<16xf32>
        %jit3A_94 = arith.constant 1 : i32
        %broadcast_in_dim3A_95 = vector.broadcast %jit3A_94 : i32 to vector<16xi32>
        %select_n3A_96 = arith.select %eq3A_93, %broadcast_in_dim3A_95, %select_n3A_92 : vector<16xi1>, vector<16xi32>
        %eq3A_97 = arith.cmpf oeq, %get3A_29, %max3A_70 : vector<16xf32>
        %jit3A_98 = arith.constant 0 : i32
        %broadcast_in_dim3A_99 = vector.broadcast %jit3A_98 : i32 to vector<16xi32>
        %select_n3A_100 = arith.select %eq3A_97, %broadcast_in_dim3A_99, %select_n3A_96 : vector<16xi1>, vector<16xi32>
        %eq3A_101 = arith.constant 0 : i32
        %eq3A_102 = vector.broadcast %eq3A_101 : i32 to vector<16xi32>
        %eq3A_103 = arith.cmpi eq, %select_n3A_100, %eq3A_102 : vector<16xi32>
        %jit3A_104 = arith.constant 0xFF800000 : f32
        %broadcast_in_dim3A_105 = vector.broadcast %jit3A_104 : f32 to vector<16xf32>
        %select_n3A_106 = arith.select %eq3A_103, %broadcast_in_dim3A_105, %get3A_29 : vector<16xi1>, vector<16xf32>
        %eq3A_107 = arith.constant 1 : i32
        %eq3A_108 = vector.broadcast %eq3A_107 : i32 to vector<16xi32>
        %eq3A_109 = arith.cmpi eq, %select_n3A_100, %eq3A_108 : vector<16xi32>
        %jit3A_110 = arith.constant 0xFF800000 : f32
        %broadcast_in_dim3A_111 = vector.broadcast %jit3A_110 : f32 to vector<16xf32>
        %select_n3A_112 = arith.select %eq3A_109, %broadcast_in_dim3A_111, %get3A_34 : vector<16xi1>, vector<16xf32>
        %max3A_113 = arith.maximumf %select_n3A_106, %select_n3A_112 : vector<16xf32>
        %eq3A_114 = arith.constant 2 : i32
        %eq3A_115 = vector.broadcast %eq3A_114 : i32 to vector<16xi32>
        %eq3A_116 = arith.cmpi eq, %select_n3A_100, %eq3A_115 : vector<16xi32>
        %jit3A_117 = arith.constant 0xFF800000 : f32
        %broadcast_in_dim3A_118 = vector.broadcast %jit3A_117 : f32 to vector<16xf32>
        %select_n3A_119 = arith.select %eq3A_116, %broadcast_in_dim3A_118, %get3A_39 : vector<16xi1>, vector<16xf32>
        %max3A_120 = arith.maximumf %max3A_113, %select_n3A_119 : vector<16xf32>
        %eq3A_121 = arith.constant 3 : i32
        %eq3A_122 = vector.broadcast %eq3A_121 : i32 to vector<16xi32>
        %eq3A_123 = arith.cmpi eq, %select_n3A_100, %eq3A_122 : vector<16xi32>
        %jit3A_124 = arith.constant 0xFF800000 : f32
        %broadcast_in_dim3A_125 = vector.broadcast %jit3A_124 : f32 to vector<16xf32>
        %select_n3A_126 = arith.select %eq3A_123, %broadcast_in_dim3A_125, %get3A_44 : vector<16xi1>, vector<16xf32>
        %max3A_127 = arith.maximumf %max3A_120, %select_n3A_126 : vector<16xf32>
        %eq3A_128 = arith.constant 4 : i32
        %eq3A_129 = vector.broadcast %eq3A_128 : i32 to vector<16xi32>
        %eq3A_130 = arith.cmpi eq, %select_n3A_100, %eq3A_129 : vector<16xi32>
        %jit3A_131 = arith.constant 0xFF800000 : f32
        %broadcast_in_dim3A_132 = vector.broadcast %jit3A_131 : f32 to vector<16xf32>
        %select_n3A_133 = arith.select %eq3A_130, %broadcast_in_dim3A_132, %get3A_49 : vector<16xi1>, vector<16xf32>
        %max3A_134 = arith.maximumf %max3A_127, %select_n3A_133 : vector<16xf32>
        %eq3A_135 = arith.constant 5 : i32
        %eq3A_136 = vector.broadcast %eq3A_135 : i32 to vector<16xi32>
        %eq3A_137 = arith.cmpi eq, %select_n3A_100, %eq3A_136 : vector<16xi32>
        %jit3A_138 = arith.constant 0xFF800000 : f32
        %broadcast_in_dim3A_139 = vector.broadcast %jit3A_138 : f32 to vector<16xf32>
        %select_n3A_140 = arith.select %eq3A_137, %broadcast_in_dim3A_139, %get3A_54 : vector<16xi1>, vector<16xf32>
        %max3A_141 = arith.maximumf %max3A_134, %select_n3A_140 : vector<16xf32>
        %eq3A_142 = arith.constant 6 : i32
        %eq3A_143 = vector.broadcast %eq3A_142 : i32 to vector<16xi32>
        %eq3A_144 = arith.cmpi eq, %select_n3A_100, %eq3A_143 : vector<16xi32>
        %jit3A_145 = arith.constant 0xFF800000 : f32
        %broadcast_in_dim3A_146 = vector.broadcast %jit3A_145 : f32 to vector<16xf32>
        %select_n3A_147 = arith.select %eq3A_144, %broadcast_in_dim3A_146, %get3A_59 : vector<16xi1>, vector<16xf32>
        %max3A_148 = arith.maximumf %max3A_141, %select_n3A_147 : vector<16xf32>
        %eq3A_149 = arith.constant 7 : i32
        %eq3A_150 = vector.broadcast %eq3A_149 : i32 to vector<16xi32>
        %eq3A_151 = arith.cmpi eq, %select_n3A_100, %eq3A_150 : vector<16xi32>
        %jit3A_152 = arith.constant 0xFF800000 : f32
        %broadcast_in_dim3A_153 = vector.broadcast %jit3A_152 : f32 to vector<16xf32>
        %select_n3A_154 = arith.select %eq3A_151, %broadcast_in_dim3A_153, %get3A_64 : vector<16xi1>, vector<16xf32>
        %max3A_155 = arith.maximumf %max3A_148, %select_n3A_154 : vector<16xf32>
        %broadcast_in_dim3A_156 = arith.constant 0 : i32
        %broadcast_in_dim3A_157 = vector.broadcast %broadcast_in_dim3A_156 : i32 to vector<16xi32>
        %eq3A_158 = arith.cmpf oeq, %get3A_64, %max3A_155 : vector<16xf32>
        %ne3A = arith.constant 7 : i32
        %ne3A_159 = vector.broadcast %ne3A : i32 to vector<16xi32>
        %ne3A_160 = arith.cmpi ne, %select_n3A_100, %ne3A_159 : vector<16xi32>
        %and3A = arith.andi %eq3A_158, %ne3A_160 : vector<16xi1>
        %jit3A_161 = arith.constant 7 : i32
        %broadcast_in_dim3A_162 = vector.broadcast %jit3A_161 : i32 to vector<16xi32>
        %select_n3A_163 = arith.select %and3A, %broadcast_in_dim3A_162, %broadcast_in_dim3A_157 : vector<16xi1>, vector<16xi32>
        %eq3A_164 = arith.cmpf oeq, %get3A_59, %max3A_155 : vector<16xf32>
        %ne3A_165 = arith.constant 6 : i32
        %ne3A_166 = vector.broadcast %ne3A_165 : i32 to vector<16xi32>
        %ne3A_167 = arith.cmpi ne, %select_n3A_100, %ne3A_166 : vector<16xi32>
        %and3A_168 = arith.andi %eq3A_164, %ne3A_167 : vector<16xi1>
        %jit3A_169 = arith.constant 6 : i32
        %broadcast_in_dim3A_170 = vector.broadcast %jit3A_169 : i32 to vector<16xi32>
        %select_n3A_171 = arith.select %and3A_168, %broadcast_in_dim3A_170, %select_n3A_163 : vector<16xi1>, vector<16xi32>
        %eq3A_172 = arith.cmpf oeq, %get3A_54, %max3A_155 : vector<16xf32>
        %ne3A_173 = arith.constant 5 : i32
        %ne3A_174 = vector.broadcast %ne3A_173 : i32 to vector<16xi32>
        %ne3A_175 = arith.cmpi ne, %select_n3A_100, %ne3A_174 : vector<16xi32>
        %and3A_176 = arith.andi %eq3A_172, %ne3A_175 : vector<16xi1>
        %jit3A_177 = arith.constant 5 : i32
        %broadcast_in_dim3A_178 = vector.broadcast %jit3A_177 : i32 to vector<16xi32>
        %select_n3A_179 = arith.select %and3A_176, %broadcast_in_dim3A_178, %select_n3A_171 : vector<16xi1>, vector<16xi32>
        %eq3A_180 = arith.cmpf oeq, %get3A_49, %max3A_155 : vector<16xf32>
        %ne3A_181 = arith.constant 4 : i32
        %ne3A_182 = vector.broadcast %ne3A_181 : i32 to vector<16xi32>
        %ne3A_183 = arith.cmpi ne, %select_n3A_100, %ne3A_182 : vector<16xi32>
        %and3A_184 = arith.andi %eq3A_180, %ne3A_183 : vector<16xi1>
        %jit3A_185 = arith.constant 4 : i32
        %broadcast_in_dim3A_186 = vector.broadcast %jit3A_185 : i32 to vector<16xi32>
        %select_n3A_187 = arith.select %and3A_184, %broadcast_in_dim3A_186, %select_n3A_179 : vector<16xi1>, vector<16xi32>
        %eq3A_188 = arith.cmpf oeq, %get3A_44, %max3A_155 : vector<16xf32>
        %ne3A_189 = arith.constant 3 : i32
        %ne3A_190 = vector.broadcast %ne3A_189 : i32 to vector<16xi32>
        %ne3A_191 = arith.cmpi ne, %select_n3A_100, %ne3A_190 : vector<16xi32>
        %and3A_192 = arith.andi %eq3A_188, %ne3A_191 : vector<16xi1>
        %jit3A_193 = arith.constant 3 : i32
        %broadcast_in_dim3A_194 = vector.broadcast %jit3A_193 : i32 to vector<16xi32>
        %select_n3A_195 = arith.select %and3A_192, %broadcast_in_dim3A_194, %select_n3A_187 : vector<16xi1>, vector<16xi32>
        %eq3A_196 = arith.cmpf oeq, %get3A_39, %max3A_155 : vector<16xf32>
        %ne3A_197 = arith.constant 2 : i32
        %ne3A_198 = vector.broadcast %ne3A_197 : i32 to vector<16xi32>
        %ne3A_199 = arith.cmpi ne, %select_n3A_100, %ne3A_198 : vector<16xi32>
        %and3A_200 = arith.andi %eq3A_196, %ne3A_199 : vector<16xi1>
        %jit3A_201 = arith.constant 2 : i32
        %broadcast_in_dim3A_202 = vector.broadcast %jit3A_201 : i32 to vector<16xi32>
        %select_n3A_203 = arith.select %and3A_200, %broadcast_in_dim3A_202, %select_n3A_195 : vector<16xi1>, vector<16xi32>
        %eq3A_204 = arith.cmpf oeq, %get3A_34, %max3A_155 : vector<16xf32>
        %ne3A_205 = arith.constant 1 : i32
        %ne3A_206 = vector.broadcast %ne3A_205 : i32 to vector<16xi32>
        %ne3A_207 = arith.cmpi ne, %select_n3A_100, %ne3A_206 : vector<16xi32>
        %and3A_208 = arith.andi %eq3A_204, %ne3A_207 : vector<16xi1>
        %jit3A_209 = arith.constant 1 : i32
        %broadcast_in_dim3A_210 = vector.broadcast %jit3A_209 : i32 to vector<16xi32>
        %select_n3A_211 = arith.select %and3A_208, %broadcast_in_dim3A_210, %select_n3A_203 : vector<16xi1>, vector<16xi32>
        %eq3A_212 = arith.cmpf oeq, %get3A_29, %max3A_155 : vector<16xf32>
        %ne3A_213 = arith.constant 0 : i32
        %ne3A_214 = vector.broadcast %ne3A_213 : i32 to vector<16xi32>
        %ne3A_215 = arith.cmpi ne, %select_n3A_100, %ne3A_214 : vector<16xi32>
        %and3A_216 = arith.andi %eq3A_212, %ne3A_215 : vector<16xi1>
        %jit3A_217 = arith.constant 0 : i32
        %broadcast_in_dim3A_218 = vector.broadcast %jit3A_217 : i32 to vector<16xi32>
        %select_n3A_219 = arith.select %and3A_216, %broadcast_in_dim3A_218, %select_n3A_211 : vector<16xi1>, vector<16xi32>
        %sub3A = arith.subf %max3A_155, %max3A_70 : vector<16xf32>
        %exp3A = math.exp %sub3A : vector<16xf32>
        %add3A_220 = arith.constant 1.000000e+00 : f32
        %add3A_221 = vector.broadcast %add3A_220 : f32 to vector<16xf32>
        %add3A_222 = arith.addf %add3A_221, %exp3A : vector<16xf32>
        %div3A = arith.constant 1.000000e+00 : f32
        %div3A_223 = vector.broadcast %div3A : f32 to vector<16xf32>
        %div3A_224 = arith.divf %div3A_223, %add3A_222 : vector<16xf32>
        %add3A_225 = arith.constant 1.000000e+00 : f32
        %add3A_226 = vector.broadcast %add3A_225 : f32 to vector<16xf32>
        %add3A_227 = arith.addf %add3A_226, %exp3A : vector<16xf32>
        %div3A_228 = arith.divf %exp3A, %add3A_227 : vector<16xf32>
        %swap3A = arith.constant 0 : i32
        %swap3A_229 = arith.index_cast %add3A_15 : i32 to index
        %swap3A_230 = arith.index_cast %swap3A : i32 to index
        %swap3A_231 = arith.index_cast %add3A_25 : i32 to index
        %swap3A_232 = tpu.vector_load %arg6[%swap3A_229, %swap3A_230, %swap3A_231] {strides = array<i32>} : memref<8x2x128xf32, #tpu.memory_space<vmem>>, vector<16xf32>,
        tpu.vector_store %arg6[%swap3A_229, %swap3A_230, %swap3A_231], %div3A_224 {strides = array<i32>} : memref<8x2x128xf32, #tpu.memory_space<vmem>>, vector<16xf32>,
        %swap3A_233 = arith.constant 1 : i32
        %swap3A_234 = arith.index_cast %add3A_15 : i32 to index
        %swap3A_235 = arith.index_cast %swap3A_233 : i32 to index
        %swap3A_236 = arith.index_cast %add3A_25 : i32 to index
        %swap3A_237 = tpu.vector_load %arg6[%swap3A_234, %swap3A_235, %swap3A_236] {strides = array<i32>} : memref<8x2x128xf32, #tpu.memory_space<vmem>>, vector<16xf32>,
        tpu.vector_store %arg6[%swap3A_234, %swap3A_235, %swap3A_236], %div3A_228 {strides = array<i32>} : memref<8x2x128xf32, #tpu.memory_space<vmem>>, vector<16xf32>,
        %swap3A_238 = arith.constant 0 : i32
        %swap3A_239 = arith.index_cast %add3A_15 : i32 to index
        %swap3A_240 = arith.index_cast %swap3A_238 : i32 to index
        %swap3A_241 = arith.index_cast %add3A_25 : i32 to index
        %swap3A_242 = tpu.vector_load %arg7[%swap3A_239, %swap3A_240, %swap3A_241] {strides = array<i32>} : memref<8x2x128xi32, #tpu.memory_space<vmem>>, vector<16xi32>,
        tpu.vector_store %arg7[%swap3A_239, %swap3A_240, %swap3A_241], %select_n3A_100 {strides = array<i32>} : memref<8x2x128xi32, #tpu.memory_space<vmem>>, vector<16xi32>,
        %swap3A_243 = arith.constant 1 : i32
        %swap3A_244 = arith.index_cast %add3A_15 : i32 to index
        %swap3A_245 = arith.index_cast %swap3A_243 : i32 to index
        %swap3A_246 = arith.index_cast %add3A_25 : i32 to index
        %swap3A_247 = tpu.vector_load %arg7[%swap3A_244, %swap3A_245, %swap3A_246] {strides = array<i32>} : memref<8x2x128xi32, #tpu.memory_space<vmem>>, vector<16xi32>,
        tpu.vector_store %arg7[%swap3A_244, %swap3A_245, %swap3A_246], %select_n3A_219 {strides = array<i32>} : memref<8x2x128xi32, #tpu.memory_space<vmem>>, vector<16xi32>,
      }
      %scan3A_20 = arith.constant 8 : i32
    }
    %scan3A_6 = arith.constant 8 : i32
    %mul3A_7 = arith.constant 8 : i32
    %mul3A_8 = arith.muli %add3A, %mul3A_7 : i32
    "tpu.region"() ({
      %run_scoped3A = tpu.sem_alloc : memref<!tpu.dma_semaphore, #tpu.memory_space<semaphore_mem>>
      %dma_start3A = arith.constant 0 : i32
      %dma_start3A_11 = arith.constant 0 : i32
      %dma_start3A_12 = tpu.memref_slice %arg3[%mul3A_8, %dma_start3A, %dma_start3A_11] : memref<256x2x128xf32, #tpu.memory_space<hbm>> -> memref<8x2x128xf32, #tpu.memory_space<hbm>>
      %dma_start3A_13 = arith.constant 0 : i32
      %dma_start3A_14 = arith.constant 0 : i32
      %dma_start3A_15 = tpu.memref_slice %arg3[%mul3A_8, %dma_start3A_13, %dma_start3A_14] : memref<256x2x128xf32, #tpu.memory_space<hbm>> -> memref<8x2x128xf32, #tpu.memory_space<hbm>>
      tpu.enqueue_dma source(%arg6 : memref<8x2x128xf32, #tpu.memory_space<vmem>>) target(%dma_start3A_15 : memref<8x2x128xf32, #tpu.memory_space<hbm>>) target_semaphore(%run_scoped3A : memref<!tpu.dma_semaphore, #tpu.memory_space<semaphore_mem>>)
      %dma_wait3A = arith.constant 0 : i32
      %dma_wait3A_16 = arith.constant 0 : i32
      %dma_wait3A_17 = tpu.memref_slice %arg3[%mul3A_8, %dma_wait3A, %dma_wait3A_16] : memref<256x2x128xf32, #tpu.memory_space<hbm>> -> memref<8x2x128xf32, #tpu.memory_space<hbm>>
      %dma_wait3A_18 = arith.constant 0 : i32
      %dma_wait3A_19 = arith.constant 0 : i32
      %dma_wait3A_20 = tpu.memref_slice %arg3[%mul3A_8, %dma_wait3A_18, %dma_wait3A_19] : memref<256x2x128xf32, #tpu.memory_space<hbm>> -> memref<8x2x128xf32, #tpu.memory_space<hbm>>
      tpu.wait_dma2 semaphore(%run_scoped3A : memref<!tpu.dma_semaphore, #tpu.memory_space<semaphore_mem>>) src(%arg6 : memref<8x2x128xf32, #tpu.memory_space<vmem>>) dst(%dma_wait3A_20 : memref<8x2x128xf32, #tpu.memory_space<hbm>>)
      tpu.yield
    }) : () -> ()
    %mul3A_9 = arith.constant 8 : i32
    %mul3A_10 = arith.muli %add3A, %mul3A_9 : i32
    "tpu.region"() ({
      %run_scoped3A = tpu.sem_alloc : memref<!tpu.dma_semaphore, #tpu.memory_space<semaphore_mem>>
      %dma_start3A = arith.constant 0 : i32
      %dma_start3A_11 = arith.constant 0 : i32
      %dma_start3A_12 = tpu.memref_slice %arg4[%mul3A_10, %dma_start3A, %dma_start3A_11] : memref<256x2x128xi32, #tpu.memory_space<hbm>> -> memref<8x2x128xi32, #tpu.memory_space<hbm>>
      %dma_start3A_13 = arith.constant 0 : i32
      %dma_start3A_14 = arith.constant 0 : i32
      %dma_start3A_15 = tpu.memref_slice %arg4[%mul3A_10, %dma_start3A_13, %dma_start3A_14] : memref<256x2x128xi32, #tpu.memory_space<hbm>> -> memref<8x2x128xi32, #tpu.memory_space<hbm>>
      tpu.enqueue_dma source(%arg7 : memref<8x2x128xi32, #tpu.memory_space<vmem>>) target(%dma_start3A_15 : memref<8x2x128xi32, #tpu.memory_space<hbm>>) target_semaphore(%run_scoped3A : memref<!tpu.dma_semaphore, #tpu.memory_space<semaphore_mem>>)
      %dma_wait3A = arith.constant 0 : i32
      %dma_wait3A_16 = arith.constant 0 : i32
      %dma_wait3A_17 = tpu.memref_slice %arg4[%mul3A_10, %dma_wait3A, %dma_wait3A_16] : memref<256x2x128xi32, #tpu.memory_space<hbm>> -> memref<8x2x128xi32, #tpu.memory_space<hbm>>
      %dma_wait3A_18 = arith.constant 0 : i32
      %dma_wait3A_19 = arith.constant 0 : i32
      %dma_wait3A_20 = tpu.memref_slice %arg4[%mul3A_10, %dma_wait3A_18, %dma_wait3A_19] : memref<256x2x128xi32, #tpu.memory_space<hbm>> -> memref<8x2x128xi32, #tpu.memory_space<hbm>>
      tpu.wait_dma2 semaphore(%run_scoped3A : memref<!tpu.dma_semaphore, #tpu.memory_space<semaphore_mem>>) src(%arg7 : memref<8x2x128xi32, #tpu.memory_space<vmem>>) dst(%dma_wait3A_20 : memref<8x2x128xi32, #tpu.memory_space<hbm>>)
      tpu.yield
    }) : () -> ()
    return
  }
}

module attributes {stable_mosaic.version = 14 : i64} {
  func.func @_logits_body(%arg0: i32, %arg1: memref<4096x768xf32, #tpu.memory_space<vmem>>, %arg2: memref<8x768xf32, #tpu.memory_space<vmem>>, %arg3: memref<8x1xf32, #tpu.memory_space<vmem>>, %arg4: memref<32x8x128xf32, #tpu.memory_space<vmem>>) attributes {dimension_semantics = [#tpu.dimension_semantics<arbitrary>], iteration_bounds = array<i64: 8>, scalar_prefetch = 0 : i64, scratch_operands = 0 : i64, tpu.core_type = #tpu.core_type<tc>, window_params = [{transform_indices = @transform_0, window_bounds = array<i64: 4096, 768>}, {pipeline_mode = #tpu.pipeline_mode<synchronous>, transform_indices = @transform_1, window_bounds = array<i64: 8, 768>}, {pipeline_mode = #tpu.pipeline_mode<synchronous>, transform_indices = @transform_2, window_bounds = array<i64: 8, 1>}, {transform_indices = @transform_3, window_bounds = array<i64: 32, 8, 128>}]} {
    %get3A = arith.constant 0 : index
    %get3A_0 = arith.constant 0 : index
    %get3A_1 = vector.load %arg2[%get3A, %get3A_0] : memref<8x768xf32, #tpu.memory_space<vmem>>, vector<8x768xf32>
    %get3A_2 = arith.constant 0 : index
    %get3A_3 = arith.constant 0 : index
    %get3A_4 = vector.load %arg1[%get3A_2, %get3A_3] : memref<4096x768xf32, #tpu.memory_space<vmem>>, vector<4096x768xf32>
    %dot_general3A = arith.constant dense<0.000000e+00> : vector<8x4096xf32>
    %dot_general3A_5 = tpu.matmul %get3A_1, %get3A_4, %dot_general3A {dimension_numbers = #tpu.dot_dimension_numbers<[1], [1], [0], [0], [0, 0, 1, 0], [], []>, transpose_lhs_hint = false} : vector<8x768xf32>, vector<4096x768xf32>, vector<8x4096xf32> -> vector<8x4096xf32>
    %get3A_6 = arith.constant 0 : index
    %get3A_7 = arith.constant 0 : index
    %get3A_8 = vector.load %arg3[%get3A_6, %get3A_7] : memref<8x1xf32, #tpu.memory_space<vmem>>, vector<8x1xf32>
    %add3A = vector.broadcast %get3A_8 : vector<8x1xf32> to vector<8x4096xf32>
    %add3A_9 = arith.addf %dot_general3A_5, %add3A : vector<8x4096xf32>
    %slice3A = vector.extract_strided_slice %add3A_9 {offsets = [0, 0], sizes = [8, 128], strides = [1, 1]} : vector<8x4096xf32> to vector<8x128xf32>
    %swap3A = arith.constant 0 : index
    %swap3A_10 = arith.constant 0 : index
    %swap3A_11 = arith.constant 0 : index
    %swap3A_12 = vector.load %arg4[%swap3A, %swap3A_10, %swap3A_11] : memref<32x8x128xf32, #tpu.memory_space<vmem>>, vector<1x8x128xf32>
    %swap3A_13 = vector.shape_cast %swap3A_12 : vector<1x8x128xf32> to vector<8x128xf32>
    %swap3A_14 = vector.shape_cast %slice3A : vector<8x128xf32> to vector<1x8x128xf32>
    tpu.vector_store %arg4[%swap3A, %swap3A_10, %swap3A_11], %swap3A_14 {strides = array<i32>} : memref<32x8x128xf32, #tpu.memory_space<vmem>>, vector<1x8x128xf32>,
    %slice3A_15 = vector.extract_strided_slice %add3A_9 {offsets = [0, 128], sizes = [8, 128], strides = [1, 1]} : vector<8x4096xf32> to vector<8x128xf32>
    %swap3A_16 = arith.constant 1 : index
    %swap3A_17 = arith.constant 0 : index
    %swap3A_18 = arith.constant 0 : index
    %swap3A_19 = vector.load %arg4[%swap3A_16, %swap3A_17, %swap3A_18] : memref<32x8x128xf32, #tpu.memory_space<vmem>>, vector<1x8x128xf32>
    %swap3A_20 = vector.shape_cast %swap3A_19 : vector<1x8x128xf32> to vector<8x128xf32>
    %swap3A_21 = vector.shape_cast %slice3A_15 : vector<8x128xf32> to vector<1x8x128xf32>
    tpu.vector_store %arg4[%swap3A_16, %swap3A_17, %swap3A_18], %swap3A_21 {strides = array<i32>} : memref<32x8x128xf32, #tpu.memory_space<vmem>>, vector<1x8x128xf32>,
    %slice3A_22 = vector.extract_strided_slice %add3A_9 {offsets = [0, 256], sizes = [8, 128], strides = [1, 1]} : vector<8x4096xf32> to vector<8x128xf32>
    %swap3A_23 = arith.constant 2 : index
    %swap3A_24 = arith.constant 0 : index
    %swap3A_25 = arith.constant 0 : index
    %swap3A_26 = vector.load %arg4[%swap3A_23, %swap3A_24, %swap3A_25] : memref<32x8x128xf32, #tpu.memory_space<vmem>>, vector<1x8x128xf32>
    %swap3A_27 = vector.shape_cast %swap3A_26 : vector<1x8x128xf32> to vector<8x128xf32>
    %swap3A_28 = vector.shape_cast %slice3A_22 : vector<8x128xf32> to vector<1x8x128xf32>
    tpu.vector_store %arg4[%swap3A_23, %swap3A_24, %swap3A_25], %swap3A_28 {strides = array<i32>} : memref<32x8x128xf32, #tpu.memory_space<vmem>>, vector<1x8x128xf32>,
    %slice3A_29 = vector.extract_strided_slice %add3A_9 {offsets = [0, 384], sizes = [8, 128], strides = [1, 1]} : vector<8x4096xf32> to vector<8x128xf32>
    %swap3A_30 = arith.constant 3 : index
    %swap3A_31 = arith.constant 0 : index
    %swap3A_32 = arith.constant 0 : index
    %swap3A_33 = vector.load %arg4[%swap3A_30, %swap3A_31, %swap3A_32] : memref<32x8x128xf32, #tpu.memory_space<vmem>>, vector<1x8x128xf32>
    %swap3A_34 = vector.shape_cast %swap3A_33 : vector<1x8x128xf32> to vector<8x128xf32>
    %swap3A_35 = vector.shape_cast %slice3A_29 : vector<8x128xf32> to vector<1x8x128xf32>
    tpu.vector_store %arg4[%swap3A_30, %swap3A_31, %swap3A_32], %swap3A_35 {strides = array<i32>} : memref<32x8x128xf32, #tpu.memory_space<vmem>>, vector<1x8x128xf32>,
    %slice3A_36 = vector.extract_strided_slice %add3A_9 {offsets = [0, 512], sizes = [8, 128], strides = [1, 1]} : vector<8x4096xf32> to vector<8x128xf32>
    %swap3A_37 = arith.constant 4 : index
    %swap3A_38 = arith.constant 0 : index
    %swap3A_39 = arith.constant 0 : index
    %swap3A_40 = vector.load %arg4[%swap3A_37, %swap3A_38, %swap3A_39] : memref<32x8x128xf32, #tpu.memory_space<vmem>>, vector<1x8x128xf32>
    %swap3A_41 = vector.shape_cast %swap3A_40 : vector<1x8x128xf32> to vector<8x128xf32>
    %swap3A_42 = vector.shape_cast %slice3A_36 : vector<8x128xf32> to vector<1x8x128xf32>
    tpu.vector_store %arg4[%swap3A_37, %swap3A_38, %swap3A_39], %swap3A_42 {strides = array<i32>} : memref<32x8x128xf32, #tpu.memory_space<vmem>>, vector<1x8x128xf32>,
    %slice3A_43 = vector.extract_strided_slice %add3A_9 {offsets = [0, 640], sizes = [8, 128], strides = [1, 1]} : vector<8x4096xf32> to vector<8x128xf32>
    %swap3A_44 = arith.constant 5 : index
    %swap3A_45 = arith.constant 0 : index
    %swap3A_46 = arith.constant 0 : index
    %swap3A_47 = vector.load %arg4[%swap3A_44, %swap3A_45, %swap3A_46] : memref<32x8x128xf32, #tpu.memory_space<vmem>>, vector<1x8x128xf32>
    %swap3A_48 = vector.shape_cast %swap3A_47 : vector<1x8x128xf32> to vector<8x128xf32>
    %swap3A_49 = vector.shape_cast %slice3A_43 : vector<8x128xf32> to vector<1x8x128xf32>
    tpu.vector_store %arg4[%swap3A_44, %swap3A_45, %swap3A_46], %swap3A_49 {strides = array<i32>} : memref<32x8x128xf32, #tpu.memory_space<vmem>>, vector<1x8x128xf32>,
    %slice3A_50 = vector.extract_strided_slice %add3A_9 {offsets = [0, 768], sizes = [8, 128], strides = [1, 1]} : vector<8x4096xf32> to vector<8x128xf32>
    %swap3A_51 = arith.constant 6 : index
    %swap3A_52 = arith.constant 0 : index
    %swap3A_53 = arith.constant 0 : index
    %swap3A_54 = vector.load %arg4[%swap3A_51, %swap3A_52, %swap3A_53] : memref<32x8x128xf32, #tpu.memory_space<vmem>>, vector<1x8x128xf32>
    %swap3A_55 = vector.shape_cast %swap3A_54 : vector<1x8x128xf32> to vector<8x128xf32>
    %swap3A_56 = vector.shape_cast %slice3A_50 : vector<8x128xf32> to vector<1x8x128xf32>
    tpu.vector_store %arg4[%swap3A_51, %swap3A_52, %swap3A_53], %swap3A_56 {strides = array<i32>} : memref<32x8x128xf32, #tpu.memory_space<vmem>>, vector<1x8x128xf32>,
    %slice3A_57 = vector.extract_strided_slice %add3A_9 {offsets = [0, 896], sizes = [8, 128], strides = [1, 1]} : vector<8x4096xf32> to vector<8x128xf32>
    %swap3A_58 = arith.constant 7 : index
    %swap3A_59 = arith.constant 0 : index
    %swap3A_60 = arith.constant 0 : index
    %swap3A_61 = vector.load %arg4[%swap3A_58, %swap3A_59, %swap3A_60] : memref<32x8x128xf32, #tpu.memory_space<vmem>>, vector<1x8x128xf32>
    %swap3A_62 = vector.shape_cast %swap3A_61 : vector<1x8x128xf32> to vector<8x128xf32>
    %swap3A_63 = vector.shape_cast %slice3A_57 : vector<8x128xf32> to vector<1x8x128xf32>
    tpu.vector_store %arg4[%swap3A_58, %swap3A_59, %swap3A_60], %swap3A_63 {strides = array<i32>} : memref<32x8x128xf32, #tpu.memory_space<vmem>>, vector<1x8x128xf32>,
    %slice3A_64 = vector.extract_strided_slice %add3A_9 {offsets = [0, 1024], sizes = [8, 128], strides = [1, 1]} : vector<8x4096xf32> to vector<8x128xf32>
    %swap3A_65 = arith.constant 8 : index
    %swap3A_66 = arith.constant 0 : index
    %swap3A_67 = arith.constant 0 : index
    %swap3A_68 = vector.load %arg4[%swap3A_65, %swap3A_66, %swap3A_67] : memref<32x8x128xf32, #tpu.memory_space<vmem>>, vector<1x8x128xf32>
    %swap3A_69 = vector.shape_cast %swap3A_68 : vector<1x8x128xf32> to vector<8x128xf32>
    %swap3A_70 = vector.shape_cast %slice3A_64 : vector<8x128xf32> to vector<1x8x128xf32>
    tpu.vector_store %arg4[%swap3A_65, %swap3A_66, %swap3A_67], %swap3A_70 {strides = array<i32>} : memref<32x8x128xf32, #tpu.memory_space<vmem>>, vector<1x8x128xf32>,
    %slice3A_71 = vector.extract_strided_slice %add3A_9 {offsets = [0, 1152], sizes = [8, 128], strides = [1, 1]} : vector<8x4096xf32> to vector<8x128xf32>
    %swap3A_72 = arith.constant 9 : index
    %swap3A_73 = arith.constant 0 : index
    %swap3A_74 = arith.constant 0 : index
    %swap3A_75 = vector.load %arg4[%swap3A_72, %swap3A_73, %swap3A_74] : memref<32x8x128xf32, #tpu.memory_space<vmem>>, vector<1x8x128xf32>
    %swap3A_76 = vector.shape_cast %swap3A_75 : vector<1x8x128xf32> to vector<8x128xf32>
    %swap3A_77 = vector.shape_cast %slice3A_71 : vector<8x128xf32> to vector<1x8x128xf32>
    tpu.vector_store %arg4[%swap3A_72, %swap3A_73, %swap3A_74], %swap3A_77 {strides = array<i32>} : memref<32x8x128xf32, #tpu.memory_space<vmem>>, vector<1x8x128xf32>,
    %slice3A_78 = vector.extract_strided_slice %add3A_9 {offsets = [0, 1280], sizes = [8, 128], strides = [1, 1]} : vector<8x4096xf32> to vector<8x128xf32>
    %swap3A_79 = arith.constant 10 : index
    %swap3A_80 = arith.constant 0 : index
    %swap3A_81 = arith.constant 0 : index
    %swap3A_82 = vector.load %arg4[%swap3A_79, %swap3A_80, %swap3A_81] : memref<32x8x128xf32, #tpu.memory_space<vmem>>, vector<1x8x128xf32>
    %swap3A_83 = vector.shape_cast %swap3A_82 : vector<1x8x128xf32> to vector<8x128xf32>
    %swap3A_84 = vector.shape_cast %slice3A_78 : vector<8x128xf32> to vector<1x8x128xf32>
    tpu.vector_store %arg4[%swap3A_79, %swap3A_80, %swap3A_81], %swap3A_84 {strides = array<i32>} : memref<32x8x128xf32, #tpu.memory_space<vmem>>, vector<1x8x128xf32>,
    %slice3A_85 = vector.extract_strided_slice %add3A_9 {offsets = [0, 1408], sizes = [8, 128], strides = [1, 1]} : vector<8x4096xf32> to vector<8x128xf32>
    %swap3A_86 = arith.constant 11 : index
    %swap3A_87 = arith.constant 0 : index
    %swap3A_88 = arith.constant 0 : index
    %swap3A_89 = vector.load %arg4[%swap3A_86, %swap3A_87, %swap3A_88] : memref<32x8x128xf32, #tpu.memory_space<vmem>>, vector<1x8x128xf32>
    %swap3A_90 = vector.shape_cast %swap3A_89 : vector<1x8x128xf32> to vector<8x128xf32>
    %swap3A_91 = vector.shape_cast %slice3A_85 : vector<8x128xf32> to vector<1x8x128xf32>
    tpu.vector_store %arg4[%swap3A_86, %swap3A_87, %swap3A_88], %swap3A_91 {strides = array<i32>} : memref<32x8x128xf32, #tpu.memory_space<vmem>>, vector<1x8x128xf32>,
    %slice3A_92 = vector.extract_strided_slice %add3A_9 {offsets = [0, 1536], sizes = [8, 128], strides = [1, 1]} : vector<8x4096xf32> to vector<8x128xf32>
    %swap3A_93 = arith.constant 12 : index
    %swap3A_94 = arith.constant 0 : index
    %swap3A_95 = arith.constant 0 : index
    %swap3A_96 = vector.load %arg4[%swap3A_93, %swap3A_94, %swap3A_95] : memref<32x8x128xf32, #tpu.memory_space<vmem>>, vector<1x8x128xf32>
    %swap3A_97 = vector.shape_cast %swap3A_96 : vector<1x8x128xf32> to vector<8x128xf32>
    %swap3A_98 = vector.shape_cast %slice3A_92 : vector<8x128xf32> to vector<1x8x128xf32>
    tpu.vector_store %arg4[%swap3A_93, %swap3A_94, %swap3A_95], %swap3A_98 {strides = array<i32>} : memref<32x8x128xf32, #tpu.memory_space<vmem>>, vector<1x8x128xf32>,
    %slice3A_99 = vector.extract_strided_slice %add3A_9 {offsets = [0, 1664], sizes = [8, 128], strides = [1, 1]} : vector<8x4096xf32> to vector<8x128xf32>
    %swap3A_100 = arith.constant 13 : index
    %swap3A_101 = arith.constant 0 : index
    %swap3A_102 = arith.constant 0 : index
    %swap3A_103 = vector.load %arg4[%swap3A_100, %swap3A_101, %swap3A_102] : memref<32x8x128xf32, #tpu.memory_space<vmem>>, vector<1x8x128xf32>
    %swap3A_104 = vector.shape_cast %swap3A_103 : vector<1x8x128xf32> to vector<8x128xf32>
    %swap3A_105 = vector.shape_cast %slice3A_99 : vector<8x128xf32> to vector<1x8x128xf32>
    tpu.vector_store %arg4[%swap3A_100, %swap3A_101, %swap3A_102], %swap3A_105 {strides = array<i32>} : memref<32x8x128xf32, #tpu.memory_space<vmem>>, vector<1x8x128xf32>,
    %slice3A_106 = vector.extract_strided_slice %add3A_9 {offsets = [0, 1792], sizes = [8, 128], strides = [1, 1]} : vector<8x4096xf32> to vector<8x128xf32>
    %swap3A_107 = arith.constant 14 : index
    %swap3A_108 = arith.constant 0 : index
    %swap3A_109 = arith.constant 0 : index
    %swap3A_110 = vector.load %arg4[%swap3A_107, %swap3A_108, %swap3A_109] : memref<32x8x128xf32, #tpu.memory_space<vmem>>, vector<1x8x128xf32>
    %swap3A_111 = vector.shape_cast %swap3A_110 : vector<1x8x128xf32> to vector<8x128xf32>
    %swap3A_112 = vector.shape_cast %slice3A_106 : vector<8x128xf32> to vector<1x8x128xf32>
    tpu.vector_store %arg4[%swap3A_107, %swap3A_108, %swap3A_109], %swap3A_112 {strides = array<i32>} : memref<32x8x128xf32, #tpu.memory_space<vmem>>, vector<1x8x128xf32>,
    %slice3A_113 = vector.extract_strided_slice %add3A_9 {offsets = [0, 1920], sizes = [8, 128], strides = [1, 1]} : vector<8x4096xf32> to vector<8x128xf32>
    %swap3A_114 = arith.constant 15 : index
    %swap3A_115 = arith.constant 0 : index
    %swap3A_116 = arith.constant 0 : index
    %swap3A_117 = vector.load %arg4[%swap3A_114, %swap3A_115, %swap3A_116] : memref<32x8x128xf32, #tpu.memory_space<vmem>>, vector<1x8x128xf32>
    %swap3A_118 = vector.shape_cast %swap3A_117 : vector<1x8x128xf32> to vector<8x128xf32>
    %swap3A_119 = vector.shape_cast %slice3A_113 : vector<8x128xf32> to vector<1x8x128xf32>
    tpu.vector_store %arg4[%swap3A_114, %swap3A_115, %swap3A_116], %swap3A_119 {strides = array<i32>} : memref<32x8x128xf32, #tpu.memory_space<vmem>>, vector<1x8x128xf32>,
    %slice3A_120 = vector.extract_strided_slice %add3A_9 {offsets = [0, 2048], sizes = [8, 128], strides = [1, 1]} : vector<8x4096xf32> to vector<8x128xf32>
    %swap3A_121 = arith.constant 16 : index
    %swap3A_122 = arith.constant 0 : index
    %swap3A_123 = arith.constant 0 : index
    %swap3A_124 = vector.load %arg4[%swap3A_121, %swap3A_122, %swap3A_123] : memref<32x8x128xf32, #tpu.memory_space<vmem>>, vector<1x8x128xf32>
    %swap3A_125 = vector.shape_cast %swap3A_124 : vector<1x8x128xf32> to vector<8x128xf32>
    %swap3A_126 = vector.shape_cast %slice3A_120 : vector<8x128xf32> to vector<1x8x128xf32>
    tpu.vector_store %arg4[%swap3A_121, %swap3A_122, %swap3A_123], %swap3A_126 {strides = array<i32>} : memref<32x8x128xf32, #tpu.memory_space<vmem>>, vector<1x8x128xf32>,
    %slice3A_127 = vector.extract_strided_slice %add3A_9 {offsets = [0, 2176], sizes = [8, 128], strides = [1, 1]} : vector<8x4096xf32> to vector<8x128xf32>
    %swap3A_128 = arith.constant 17 : index
    %swap3A_129 = arith.constant 0 : index
    %swap3A_130 = arith.constant 0 : index
    %swap3A_131 = vector.load %arg4[%swap3A_128, %swap3A_129, %swap3A_130] : memref<32x8x128xf32, #tpu.memory_space<vmem>>, vector<1x8x128xf32>
    %swap3A_132 = vector.shape_cast %swap3A_131 : vector<1x8x128xf32> to vector<8x128xf32>
    %swap3A_133 = vector.shape_cast %slice3A_127 : vector<8x128xf32> to vector<1x8x128xf32>
    tpu.vector_store %arg4[%swap3A_128, %swap3A_129, %swap3A_130], %swap3A_133 {strides = array<i32>} : memref<32x8x128xf32, #tpu.memory_space<vmem>>, vector<1x8x128xf32>,
    %slice3A_134 = vector.extract_strided_slice %add3A_9 {offsets = [0, 2304], sizes = [8, 128], strides = [1, 1]} : vector<8x4096xf32> to vector<8x128xf32>
    %swap3A_135 = arith.constant 18 : index
    %swap3A_136 = arith.constant 0 : index
    %swap3A_137 = arith.constant 0 : index
    %swap3A_138 = vector.load %arg4[%swap3A_135, %swap3A_136, %swap3A_137] : memref<32x8x128xf32, #tpu.memory_space<vmem>>, vector<1x8x128xf32>
    %swap3A_139 = vector.shape_cast %swap3A_138 : vector<1x8x128xf32> to vector<8x128xf32>
    %swap3A_140 = vector.shape_cast %slice3A_134 : vector<8x128xf32> to vector<1x8x128xf32>
    tpu.vector_store %arg4[%swap3A_135, %swap3A_136, %swap3A_137], %swap3A_140 {strides = array<i32>} : memref<32x8x128xf32, #tpu.memory_space<vmem>>, vector<1x8x128xf32>,
    %slice3A_141 = vector.extract_strided_slice %add3A_9 {offsets = [0, 2432], sizes = [8, 128], strides = [1, 1]} : vector<8x4096xf32> to vector<8x128xf32>
    %swap3A_142 = arith.constant 19 : index
    %swap3A_143 = arith.constant 0 : index
    %swap3A_144 = arith.constant 0 : index
    %swap3A_145 = vector.load %arg4[%swap3A_142, %swap3A_143, %swap3A_144] : memref<32x8x128xf32, #tpu.memory_space<vmem>>, vector<1x8x128xf32>
    %swap3A_146 = vector.shape_cast %swap3A_145 : vector<1x8x128xf32> to vector<8x128xf32>
    %swap3A_147 = vector.shape_cast %slice3A_141 : vector<8x128xf32> to vector<1x8x128xf32>
    tpu.vector_store %arg4[%swap3A_142, %swap3A_143, %swap3A_144], %swap3A_147 {strides = array<i32>} : memref<32x8x128xf32, #tpu.memory_space<vmem>>, vector<1x8x128xf32>,
    %slice3A_148 = vector.extract_strided_slice %add3A_9 {offsets = [0, 2560], sizes = [8, 128], strides = [1, 1]} : vector<8x4096xf32> to vector<8x128xf32>
    %swap3A_149 = arith.constant 20 : index
    %swap3A_150 = arith.constant 0 : index
    %swap3A_151 = arith.constant 0 : index
    %swap3A_152 = vector.load %arg4[%swap3A_149, %swap3A_150, %swap3A_151] : memref<32x8x128xf32, #tpu.memory_space<vmem>>, vector<1x8x128xf32>
    %swap3A_153 = vector.shape_cast %swap3A_152 : vector<1x8x128xf32> to vector<8x128xf32>
    %swap3A_154 = vector.shape_cast %slice3A_148 : vector<8x128xf32> to vector<1x8x128xf32>
    tpu.vector_store %arg4[%swap3A_149, %swap3A_150, %swap3A_151], %swap3A_154 {strides = array<i32>} : memref<32x8x128xf32, #tpu.memory_space<vmem>>, vector<1x8x128xf32>,
    %slice3A_155 = vector.extract_strided_slice %add3A_9 {offsets = [0, 2688], sizes = [8, 128], strides = [1, 1]} : vector<8x4096xf32> to vector<8x128xf32>
    %swap3A_156 = arith.constant 21 : index
    %swap3A_157 = arith.constant 0 : index
    %swap3A_158 = arith.constant 0 : index
    %swap3A_159 = vector.load %arg4[%swap3A_156, %swap3A_157, %swap3A_158] : memref<32x8x128xf32, #tpu.memory_space<vmem>>, vector<1x8x128xf32>
    %swap3A_160 = vector.shape_cast %swap3A_159 : vector<1x8x128xf32> to vector<8x128xf32>
    %swap3A_161 = vector.shape_cast %slice3A_155 : vector<8x128xf32> to vector<1x8x128xf32>
    tpu.vector_store %arg4[%swap3A_156, %swap3A_157, %swap3A_158], %swap3A_161 {strides = array<i32>} : memref<32x8x128xf32, #tpu.memory_space<vmem>>, vector<1x8x128xf32>,
    %slice3A_162 = vector.extract_strided_slice %add3A_9 {offsets = [0, 2816], sizes = [8, 128], strides = [1, 1]} : vector<8x4096xf32> to vector<8x128xf32>
    %swap3A_163 = arith.constant 22 : index
    %swap3A_164 = arith.constant 0 : index
    %swap3A_165 = arith.constant 0 : index
    %swap3A_166 = vector.load %arg4[%swap3A_163, %swap3A_164, %swap3A_165] : memref<32x8x128xf32, #tpu.memory_space<vmem>>, vector<1x8x128xf32>
    %swap3A_167 = vector.shape_cast %swap3A_166 : vector<1x8x128xf32> to vector<8x128xf32>
    %swap3A_168 = vector.shape_cast %slice3A_162 : vector<8x128xf32> to vector<1x8x128xf32>
    tpu.vector_store %arg4[%swap3A_163, %swap3A_164, %swap3A_165], %swap3A_168 {strides = array<i32>} : memref<32x8x128xf32, #tpu.memory_space<vmem>>, vector<1x8x128xf32>,
    %slice3A_169 = vector.extract_strided_slice %add3A_9 {offsets = [0, 2944], sizes = [8, 128], strides = [1, 1]} : vector<8x4096xf32> to vector<8x128xf32>
    %swap3A_170 = arith.constant 23 : index
    %swap3A_171 = arith.constant 0 : index
    %swap3A_172 = arith.constant 0 : index
    %swap3A_173 = vector.load %arg4[%swap3A_170, %swap3A_171, %swap3A_172] : memref<32x8x128xf32, #tpu.memory_space<vmem>>, vector<1x8x128xf32>
    %swap3A_174 = vector.shape_cast %swap3A_173 : vector<1x8x128xf32> to vector<8x128xf32>
    %swap3A_175 = vector.shape_cast %slice3A_169 : vector<8x128xf32> to vector<1x8x128xf32>
    tpu.vector_store %arg4[%swap3A_170, %swap3A_171, %swap3A_172], %swap3A_175 {strides = array<i32>} : memref<32x8x128xf32, #tpu.memory_space<vmem>>, vector<1x8x128xf32>,
    %slice3A_176 = vector.extract_strided_slice %add3A_9 {offsets = [0, 3072], sizes = [8, 128], strides = [1, 1]} : vector<8x4096xf32> to vector<8x128xf32>
    %swap3A_177 = arith.constant 24 : index
    %swap3A_178 = arith.constant 0 : index
    %swap3A_179 = arith.constant 0 : index
    %swap3A_180 = vector.load %arg4[%swap3A_177, %swap3A_178, %swap3A_179] : memref<32x8x128xf32, #tpu.memory_space<vmem>>, vector<1x8x128xf32>
    %swap3A_181 = vector.shape_cast %swap3A_180 : vector<1x8x128xf32> to vector<8x128xf32>
    %swap3A_182 = vector.shape_cast %slice3A_176 : vector<8x128xf32> to vector<1x8x128xf32>
    tpu.vector_store %arg4[%swap3A_177, %swap3A_178, %swap3A_179], %swap3A_182 {strides = array<i32>} : memref<32x8x128xf32, #tpu.memory_space<vmem>>, vector<1x8x128xf32>,
    %slice3A_183 = vector.extract_strided_slice %add3A_9 {offsets = [0, 3200], sizes = [8, 128], strides = [1, 1]} : vector<8x4096xf32> to vector<8x128xf32>
    %swap3A_184 = arith.constant 25 : index
    %swap3A_185 = arith.constant 0 : index
    %swap3A_186 = arith.constant 0 : index
    %swap3A_187 = vector.load %arg4[%swap3A_184, %swap3A_185, %swap3A_186] : memref<32x8x128xf32, #tpu.memory_space<vmem>>, vector<1x8x128xf32>
    %swap3A_188 = vector.shape_cast %swap3A_187 : vector<1x8x128xf32> to vector<8x128xf32>
    %swap3A_189 = vector.shape_cast %slice3A_183 : vector<8x128xf32> to vector<1x8x128xf32>
    tpu.vector_store %arg4[%swap3A_184, %swap3A_185, %swap3A_186], %swap3A_189 {strides = array<i32>} : memref<32x8x128xf32, #tpu.memory_space<vmem>>, vector<1x8x128xf32>,
    %slice3A_190 = vector.extract_strided_slice %add3A_9 {offsets = [0, 3328], sizes = [8, 128], strides = [1, 1]} : vector<8x4096xf32> to vector<8x128xf32>
    %swap3A_191 = arith.constant 26 : index
    %swap3A_192 = arith.constant 0 : index
    %swap3A_193 = arith.constant 0 : index
    %swap3A_194 = vector.load %arg4[%swap3A_191, %swap3A_192, %swap3A_193] : memref<32x8x128xf32, #tpu.memory_space<vmem>>, vector<1x8x128xf32>
    %swap3A_195 = vector.shape_cast %swap3A_194 : vector<1x8x128xf32> to vector<8x128xf32>
    %swap3A_196 = vector.shape_cast %slice3A_190 : vector<8x128xf32> to vector<1x8x128xf32>
    tpu.vector_store %arg4[%swap3A_191, %swap3A_192, %swap3A_193], %swap3A_196 {strides = array<i32>} : memref<32x8x128xf32, #tpu.memory_space<vmem>>, vector<1x8x128xf32>,
    %slice3A_197 = vector.extract_strided_slice %add3A_9 {offsets = [0, 3456], sizes = [8, 128], strides = [1, 1]} : vector<8x4096xf32> to vector<8x128xf32>
    %swap3A_198 = arith.constant 27 : index
    %swap3A_199 = arith.constant 0 : index
    %swap3A_200 = arith.constant 0 : index
    %swap3A_201 = vector.load %arg4[%swap3A_198, %swap3A_199, %swap3A_200] : memref<32x8x128xf32, #tpu.memory_space<vmem>>, vector<1x8x128xf32>
    %swap3A_202 = vector.shape_cast %swap3A_201 : vector<1x8x128xf32> to vector<8x128xf32>
    %swap3A_203 = vector.shape_cast %slice3A_197 : vector<8x128xf32> to vector<1x8x128xf32>
    tpu.vector_store %arg4[%swap3A_198, %swap3A_199, %swap3A_200], %swap3A_203 {strides = array<i32>} : memref<32x8x128xf32, #tpu.memory_space<vmem>>, vector<1x8x128xf32>,
    %slice3A_204 = vector.extract_strided_slice %add3A_9 {offsets = [0, 3584], sizes = [8, 128], strides = [1, 1]} : vector<8x4096xf32> to vector<8x128xf32>
    %swap3A_205 = arith.constant 28 : index
    %swap3A_206 = arith.constant 0 : index
    %swap3A_207 = arith.constant 0 : index
    %swap3A_208 = vector.load %arg4[%swap3A_205, %swap3A_206, %swap3A_207] : memref<32x8x128xf32, #tpu.memory_space<vmem>>, vector<1x8x128xf32>
    %swap3A_209 = vector.shape_cast %swap3A_208 : vector<1x8x128xf32> to vector<8x128xf32>
    %swap3A_210 = vector.shape_cast %slice3A_204 : vector<8x128xf32> to vector<1x8x128xf32>
    tpu.vector_store %arg4[%swap3A_205, %swap3A_206, %swap3A_207], %swap3A_210 {strides = array<i32>} : memref<32x8x128xf32, #tpu.memory_space<vmem>>, vector<1x8x128xf32>,
    %slice3A_211 = vector.extract_strided_slice %add3A_9 {offsets = [0, 3712], sizes = [8, 128], strides = [1, 1]} : vector<8x4096xf32> to vector<8x128xf32>
    %swap3A_212 = arith.constant 29 : index
    %swap3A_213 = arith.constant 0 : index
    %swap3A_214 = arith.constant 0 : index
    %swap3A_215 = vector.load %arg4[%swap3A_212, %swap3A_213, %swap3A_214] : memref<32x8x128xf32, #tpu.memory_space<vmem>>, vector<1x8x128xf32>
    %swap3A_216 = vector.shape_cast %swap3A_215 : vector<1x8x128xf32> to vector<8x128xf32>
    %swap3A_217 = vector.shape_cast %slice3A_211 : vector<8x128xf32> to vector<1x8x128xf32>
    tpu.vector_store %arg4[%swap3A_212, %swap3A_213, %swap3A_214], %swap3A_217 {strides = array<i32>} : memref<32x8x128xf32, #tpu.memory_space<vmem>>, vector<1x8x128xf32>,
    %slice3A_218 = vector.extract_strided_slice %add3A_9 {offsets = [0, 3840], sizes = [8, 128], strides = [1, 1]} : vector<8x4096xf32> to vector<8x128xf32>
    %swap3A_219 = arith.constant 30 : index
    %swap3A_220 = arith.constant 0 : index
    %swap3A_221 = arith.constant 0 : index
    %swap3A_222 = vector.load %arg4[%swap3A_219, %swap3A_220, %swap3A_221] : memref<32x8x128xf32, #tpu.memory_space<vmem>>, vector<1x8x128xf32>
    %swap3A_223 = vector.shape_cast %swap3A_222 : vector<1x8x128xf32> to vector<8x128xf32>
    %swap3A_224 = vector.shape_cast %slice3A_218 : vector<8x128xf32> to vector<1x8x128xf32>
    tpu.vector_store %arg4[%swap3A_219, %swap3A_220, %swap3A_221], %swap3A_224 {strides = array<i32>} : memref<32x8x128xf32, #tpu.memory_space<vmem>>, vector<1x8x128xf32>,
    %slice3A_225 = vector.extract_strided_slice %add3A_9 {offsets = [0, 3968], sizes = [8, 128], strides = [1, 1]} : vector<8x4096xf32> to vector<8x128xf32>
    %swap3A_226 = arith.constant 31 : index
    %swap3A_227 = arith.constant 0 : index
    %swap3A_228 = arith.constant 0 : index
    %swap3A_229 = vector.load %arg4[%swap3A_226, %swap3A_227, %swap3A_228] : memref<32x8x128xf32, #tpu.memory_space<vmem>>, vector<1x8x128xf32>
    %swap3A_230 = vector.shape_cast %swap3A_229 : vector<1x8x128xf32> to vector<8x128xf32>
    %swap3A_231 = vector.shape_cast %slice3A_225 : vector<8x128xf32> to vector<1x8x128xf32>
    tpu.vector_store %arg4[%swap3A_226, %swap3A_227, %swap3A_228], %swap3A_231 {strides = array<i32>} : memref<32x8x128xf32, #tpu.memory_space<vmem>>, vector<1x8x128xf32>,
    return
  }
  func.func @transform_0(%arg0: i32) -> (i32, i32) {
    %c0_i32 = arith.constant 0 : i32
    %c0_i32_0 = arith.constant 0 : i32
    return %arg0, %c0_i32 : i32, i32
  }
  func.func @transform_1(%arg0: i32) -> (i32, i32) {
    %c0_i32 = arith.constant 0 : i32
    %c0_i32_0 = arith.constant 0 : i32
    %c0_i32_1 = arith.constant 0 : i32
    return %c0_i32, %c0_i32_0 : i32, i32
  }
  func.func @transform_2(%arg0: i32) -> (i32, i32) {
    %c0_i32 = arith.constant 0 : i32
    %c0_i32_0 = arith.constant 0 : i32
    %c0_i32_1 = arith.constant 0 : i32
    return %c0_i32, %c0_i32_0 : i32, i32
  }
  func.func @transform_3(%arg0: i32) -> (i32, i32, i32) {
    %c0_i32 = arith.constant 0 : i32
    %c0_i32_0 = arith.constant 0 : i32
    %c0_i32_1 = arith.constant 0 : i32
    return %arg0, %c0_i32, %c0_i32_0 : i32, i32, i32
  }
}

</mosaic_0001>

<sc_bundles>
// kernel: kernel.4.cloned.1.call-start
scs
__scs_entry_jumppad:
0x0: {  	(pc) =	sbr.rel $0x88, $3  }
0x1: {  	(tag) =	ssettag $0x0;
	lr =	simm.s32 $0x1  }
0x2: {  	[smem:$0x3F9E] =	sst lr;
	_ =	strace $0xD0000000  }
0x3: {  	_ = 	snop  }
0x4: {  	_ = 	snop  }
0x5: {  	_ = 	snop  }
0x6: {  	_ = 	snop  }
0x7: {  	_ = 	snop  }
__scs_overlays_trampoline_lowered:
0x8: {  	[smem:$0x3FAD] =	sst s0  }
0x9: {  	[smem:$0x3FAE] =	sst s1  }
0xa: {  	[smem:$0x3FAF] =	sst s2  }
0xb: {  	[smem:$0x3FB0] =	sst s3  }
0xc: {  	[smem:$0x3FB1] =	sst s4  }
0xd: {  	[smem:$0x3FB2] =	sst s5  }
0xe: {  	[smem:$0x3FB3] =	sst s6  }
0xf: {  	[smem:$0x3FB4] =	sst s7  }
0x10: {  	[smem:$0x3FB5] =	sst s8  }
0x11: {  	[smem:$0x3FB6] =	sst s9;
	s0 =	simm.s32 @!p0 $0x0  }
0x12: {  	s1 =	sld [smem:$0x3F9C];
	s0 =	simm.s32 @p0 $0x1  }
0x13: {  	[smem:$0x3FB7] =	sst s0;
	s0 =	simm.s32 @!p1 $0x0  }
0x14: {  	s2 =	sld [smem:$0x3F9B];
	s0 =	simm.s32 @p1 $0x1  }
0x15: {  	[smem:$0x3FB8] =	sst s0;
	s0 =	simm.s32 @!p2 $0x0  }
0x16: {  	s3 =	sld [smem:$0x3FDB];
	s0 =	simm.s32 @p2 $0x1  }
0x17: {  	s4 =	simm.s32 $0x1BF5;
	[smem:$0x3FBA] =	sst s0  }
0x18: {  	s0 =	sld [smem:$0x3F9D];
	_ =	swait.ge [sflag:s4], $0x0  }
0x19: {  	s7 =	sld [smem:$0x3F9E]  }
0x1a: {  	s8 =	sadd.s32 $0xFFFFE003, lr  }
0x1b: {  	s9 =	sadd.s32 $0xFFFFFEF7, lr;
	s5 =	simm.s32 $0xFFFFFFFF;
	p2 =	slt.u32 s8, $0xFFFFF086  }
0x1c: {  	p1 =	slt.u32 s9, $0xF7A;
	s5 =	simm.s32 @!p2 $0x0  }
0x1d: {  	s5 =	simm.s32 @p1 $0x1;
	p0 =	seq.s32 s7, s2  }
0x1e: {  	s7 =	smul.u32 @!p0 $0xF7A, s2;
	p2 =	seq.s32 @!p0 s5, $0x0  }
0x1f: {  	s9 =	smul.u32 $0xF7A, s1;
	s8 =	simm.s32 @!p0 $0x1BF5;
	p2 =	por !p2, p0  }
0x20: {  	[sflag:s8] =	ssyncset.s32 @!p0 $0xFFFFF086;
	s6 =	sadd.s32 @!p0 s3, s7;
	s7 =	simm.s32 @!p0 $0x108  }
0x21: {  	s3 =	sadd.s32 s3, s9;
	s6 =	sadd.s32 @!p0 $0x88, s6;
	s7 =	simm.s32 @p2 $0x1082  }
0x22: {  	[simem:s7], [sflag:s8] =	dma.local @!p0 [hbm:s6], $0xF7A  }
0x23: {  	s9 =	sor.u32 $0xD0000000, s2;
	s6 =	simm.s32 $0x108;
	_ =	swait.ge @!p0 [sflag:s8], $0x0  }
0x24: {  	s3 =	sadd.s32 $0x88, s3;
	s6 =	simm.s32 @!p1 $0x1082;
	[sflag:s4] =	ssyncset.s32 $0xFFFFF086  }
0x25: {  	[simem:s6], [sflag:s4] =	dma.local [hbm:s3], $0xF7A  }
0x26: {  	[smem:$0x3F9E] =	sst s1;
	(tag) =	ssettag s2;
	_ =	strace s9  }
0x27: {  	s1 =	sld [smem:$0x3FAE]  }
0x28: {  	s2 =	sld [smem:$0x3FAF]  }
0x29: {  	s4 =	sld [smem:$0x3FB1]  }
0x2a: {  	p0 =	seq.s32 s5, $0x0;
	s5 =	sld [smem:$0x3FB2]  }
0x2b: {  	s6 =	sld [smem:$0x3FB3]  }
0x2c: {  	s7 =	sld [smem:$0x3FB4]  }
0x2d: {  	s3 =	simm.s32 $0x108;
	s8 =	sld [smem:$0x3FB5]  }
0x2e: {  	s3 =	simm.s32 @!p0 $0x1082;
	s9 =	sld [smem:$0x3FB6]  }
0x2f: {  	lr =	sadd.s32 s0, s3;
	s0 =	sld [smem:$0x3FAD]  }
0x30: {  	s3 =	sld [smem:$0x3FB0]  }
0x31: {  	[smem:$0x3FB9] =	sst s10  }
0x32: {  	s10 =	sld [smem:$0x3FB7];
	_ =	sdelay $0x3  }
0x33: {  	p0 =	seq.s32 s10, $0x1;
	s10 =	sld [smem:$0x3FB9];
	_ =	sdelay $0x3  }
0x34: {  	[smem:$0x3FB9] =	sst s10  }
0x35: {  	s10 =	sld [smem:$0x3FB8];
	_ =	sdelay $0x3  }
0x36: {  	p1 =	seq.s32 s10, $0x1;
	s10 =	sld [smem:$0x3FB9];
	_ =	sdelay $0x3  }
0x37: {  	[smem:$0x3FB9] =	sst s10  }
0x38: {  	s10 =	sld [smem:$0x3FBA]  }
0x39: {  	_ = 	snop;
	(pc) =	sbr.ind lr, $3  }
0x3a: {  	_ = 	snop  }
0x3b: {  	_ = 	snop  }
0x3c: {  	p2 =	seq.s32 s10, $0x1;
	s10 =	sld [smem:$0x3FB9]  }
0x3d: {  	_ =	shalt  }
0x3e: {  	_ =	shalt  }
0x3f: {  	_ =	shalt  }
0x40: {  	_ =	shalt  }
0x41: {  	_ =	shalt  }
0x42: {  	_ =	shalt  }
0x43: {  	_ =	shalt  }
0x44: {  	_ =	shalt  }
0x45: {  	_ =	shalt  }
0x46: {  	_ =	shalt  }
0x47: {  	_ =	shalt  }
0x48: {  	_ =	shalt  }
0x49: {  	_ =	shalt  }
0x4a: {  	_ =	shalt  }
0x4b: {  	_ =	shalt  }
0x4c: {  	_ =	shalt  }
0x4d: {  	_ =	shalt  }
0x4e: {  	_ =	shalt  }
0x4f: {  	_ =	shalt  }
0x50: {  	_ =	shalt  }
0x51: {  	_ =	shalt  }
0x52: {  	_ =	shalt  }
0x53: {  	_ =	shalt  }
0x54: {  	_ =	shalt  }
0x55: {  	_ =	shalt  }
0x56: {  	_ =	shalt  }
0x57: {  	_ =	shalt  }
0x58: {  	_ =	shalt  }
0x59: {  	_ =	shalt  }
0x5a: {  	_ =	shalt  }
0x5b: {  	_ =	shalt  }
0x5c: {  	_ =	shalt  }
0x5d: {  	_ =	shalt  }
0x5e: {  	_ =	shalt  }
0x5f: {  	_ =	shalt  }
0x60: {  	_ =	shalt  }
0x61: {  	_ =	shalt  }
0x62: {  	_ =	shalt  }
0x63: {  	_ =	shalt  }
0x64: {  	_ =	shalt  }
0x65: {  	_ =	shalt  }
0x66: {  	_ =	shalt  }
0x67: {  	_ =	shalt  }
0x68: {  	_ =	shalt  }
0x69: {  	_ =	shalt  }
0x6a: {  	_ =	shalt  }
0x6b: {  	_ =	shalt  }
0x6c: {  	_ =	shalt  }
0x6d: {  	_ =	shalt  }
0x6e: {  	_ =	shalt  }
0x6f: {  	_ =	shalt  }
0x70: {  	_ =	shalt  }
0x71: {  	_ =	shalt  }
0x72: {  	_ =	shalt  }
0x73: {  	_ =	shalt  }
0x74: {  	_ =	shalt  }
0x75: {  	_ =	shalt  }
0x76: {  	_ =	shalt  }
0x77: {  	_ =	shalt  }
0x78: {  	_ =	shalt  }
0x79: {  	_ =	shalt  }
0x7a: {  	_ =	shalt  }
0x7b: {  	_ =	shalt  }
0x7c: {  	_ =	shalt  }
0x7d: {  	_ =	shalt  }
0x7e: {  	_ =	shalt  }
0x7f: {  	_ =	shalt  }
0x80: {  	_ =	shalt  }
0x81: {  	_ =	shalt  }
0x82: {  	_ =	shalt  }
0x83: {  	_ =	shalt  }
0x84: {  	_ =	shalt  }
0x85: {  	_ =	shalt  }
0x86: {  	_ =	shalt  }
0x87: {  	_ =	shalt  }
.Lfunc_end0:
.L_simem_size_0:
called_computation_lowered:
.L_overlay_start_0:
0x88: {  	s2 =	sld [smem:$0x3FD9]  }
0x89: {  	s3 =	sld [smem:$0x3FFE];
	_ =	sdelay $0x1  }
0x8a: {  	s1 =	srdreg.scid  }
0x8b: {  	s0 =	sand.u32 $0x1, s1  }
0x8c: {  	s14 =	sshll.u32 s0, $0xA;
	s2 =	sadd.s32 s3, s2  }
0x8d: {  	s2 =	sadd.s32 s2, s14  }
0x8e: {  	[smem:$0x3FC5] =	sst s2  }
0x8f: {  	_ = 	snop  }
0x90: {  	s2 =	sld [smem:$0x3FD0];
	_ =	sdelay $0x2  }
0x91: {  	s15 =	simm.s32 $0xA;
	s4 =	simm.s32 $0x10  }
0x92: {  	[smem:s4], [sflag:s15] =	dma.local [hbm:s2], $0x1  }
0x93: {  	_ =	swait.eq [sflag:s15], $0x1  }
0x94: {  	[sflag:s15] =	ssyncset.done $0x0  }
0x95: {  	s16 =	sld [smem:$0x10];
	[sflag:s15] =	ssyncadd.s32 $0xFFFFFFFF  }
0x96: {  	s17 =	sld [smem:$0x11];
	(tm) =	ssettm $0x1  }
0x97: {  	s18 =	sld [smem:$0x3FFB];
	_ =	sdelay $0x3  }
0x98: {  	_ =	strace s18  }
0x99: {  	s4 =	sld [smem:$0x3FFC];
	_ =	sdelay $0x3  }
0x9a: {  	_ =	strace s4  }
0x9b: {  	s4 =	sld [smem:$0x3FFD];
	_ =	sdelay $0x3  }
0x9c: {  	_ =	strace s4  }
0x9d: {  	_ =	strace $0x8FFFFFFF  }
0x9e: {  	s19 =	sld [smem:$0x3FDB];
	_ =	sdelay $0x1  }
0x9f: {  	s5 =	simm.s32 $_scs_section_size  }
0xa0: {  	s6 =	simm.s32 $_size__tile_overlayer_lowered;
	s7 =	simm.s32 $_tile_overlayer_lowered  }
0xa1: {  	s22 =	simm.s32 $0x1BFF;
	s21 =	sshll.u32 s7, $0x1;
	s4 =	sadd.s32 s5, s19  }
0xa2: {  	s8 =	simm.s32 $0x0;
	s20 =	sshll.u32 s6, $0x1;
	s6 =	sadd.s32 s21, s4  }
0xa3: {  	[timem:s8], [sflag:s22] =	dma.local [hbm:s6], s20  }
0xa4: {  	_ =	swait.ge [sflag:s22], s20  }
0xa5: {  	s5 =	ssub.s32 $0x0, s20;
	[sflag:s22] =	ssyncset.done $0x0  }
0xa6: {  	[sflag:s22] =	ssyncadd.s32 s5;
	_ =	sdelay $0x1  }
0xa7: {  	s23 =	simm.s32 $0x1B8B  }
0xa8: {  	_ =	swait.ge [sflag:s23], $0x1  }
0xa9: {  	[sflag:s23] =	ssyncset.done $0x0  }
0xaa: {  	s25 =	simm.s32 $0x1B8E;
	s24 =	sld [smem:$0x3FFE];
	[sflag:s23] =	ssyncadd.s32 $0xFFFFFFFF  }
0xab: {  	s26 =	simm.s32 $execute0_lowered;
	[smem:$0x3FD2] =	sst s25  }
0xac: {  	s6 =	sshll.u32 s26, $0x1;
	_ =	strace $0x80000046;
	[dreg:$0x1] =	wrdreg $0xFFFFFFFF  }
0xad: {  	s28 =	simm.s32 $_size_execute0_lowered;
	s4 =	sadd.s32 s4, s6;
	[dreg:$0x0] =	wrdreg $0x0  }
0xae: {  	s6 =	sshll.u32 s28, $0x1;
	[dreg:$0x2] =	wrdreg s4  }
0xaf: {  	[dreg:$0x3] =	wrdreg s6  }
0xb0: {  	[dreg:$0x4] =	wrdreg $0xC0  }
0xb1: {  	_ =	task [dreg:s8], $0x5FFFF  }
0xb2: {  	[dreg:$0x1] =	wrdreg $0xFFFFFFFF  }
0xb3: {  	[dreg:$0x0] =	wrdreg $0x60  }
0xb4: {  	[dreg:$0x2] =	wrdreg s24  }
0xb5: {  	[dreg:$0x3] =	wrdreg s16  }
0xb6: {  	[dreg:$0x4] =	wrdreg s17  }
0xb7: {  	[dreg:$0x5] =	wrdreg $0x9  }
0xb8: {  	_ =	task.clear_ibuf [dreg:s8], $0x6FFFF;
	_ =	strace $0x90000046  }
0xb9: {  	s29 =	simm.s32 $0x9;
	_ =	strace $0x80000048  }
0xba: {  	_ =	swait.ge [sflag:s29], $0x1  }
0xbb: {  	[sflag:s29] =	ssyncadd.s32 $0xFFFFFFFF  }
0xbc: {  	_ =	strace $0x90000048  }
0xbd: {  	_ =	sfence  }
0xbe: {  	s30 =	sld [smem:$0x0];
	_ =	sdelay $0x2  }
0xbf: {  	s31 =	sshll.u32 s1, $0xD;
	s1 =	sshrl.u32 s1, $0x2  }
0xc0: {  	s3 =	sand.u32 $0x4000, s31;
	s1 =	sadd.s32 s1, s30  }
0xc1: {  	s0 =	sor.u32 s3, s0;
	s1 =	sshll.u32 s1, $0x11  }
0xc2: {  	s0 =	sor.u32 s1, s0  }
0xc3: {  	s0 =	sadd.s32 $0x8F2B, s0  }
0xc4: {  	[sflag:s0] =	ssyncadd.remote.s32 $0x1  }
0xc5: {  	_ =	sfence.sel $0xFFFF  }
0xc6: {  	[dreg:$0x0] =	wrdreg $0xFFFFFFFF;
	(pc) =	sbr.abs _section_cstart, $3  }
0xc7: {  	[dreg:$0x1] =	wrdreg $0xFFFFFFFF  }
0xc8: {  	_ =	task.clear_ibuf [dreg:s8], $0x2FFFF;
	_ =	strace $0x9FFFFFFF  }
0xc9: {  	(tm) =	ssettm $0x7FFFFFFF  }
tec
execute0_lowered:
.L_overlay_start_1:
0x0: {  	(tag) =	ssettag $0x1  }
0x1: {  	s3 =	rddreg [dreg:$0x0]  }
0x2: {  	s4 =	rddreg [dreg:$0x1]  }
0x3: {  	s5 =	rddreg [dreg:$0x2];
	s2 =	srdreg.scid  }
0x4: {  	s0 =	rddreg [dreg:$0x3];
	s1 =	stileid.u32  }
0x5: {  	s9 =	simm.s32 $0x2800;
	s10 =	simm.s32 $0x0;
	s6 =	sand.u32 $0x1, s2  }
0x6: {  	s2 =	simm.s32 $0x0;
	s7 =	sshll.u32 s1, $0x4;
	s8 =	sshll.u32 s6, $0x3  }
0x7: {  	[smem:$0x7FF] =	sst s2;
	s6 =	ssub.s32 $0x2, s6;
	s7 =	sor.u32 s8, s7  }
0x8: {  	_ =	strace $0x80000047;
	s31 =	sshrl.u32 s6, $0x1;
	s8 =	sshll.u32 s7, $0x7  }
0x9: {  	s7 =	sshll.u32 s7, $0x5;
	s6 =	ssub.s32 s6, s31;
	s3 =	sadd.s32 s8, s3  }
0xa: {  	s4 =	sadd.s32 s4, s7;
	s5 =	sadd.s32 s5, s7;
	s6 =	smax.u32 s6, $0x1  }
0xb: {  	v0 =	vimm.s32 $0x0;
	s7 =	simm.s32 $0x1;
	s8 =	simm.s32 $0x2000;
	s3 =	sadd.s32 $0xC00, s3  }
.LBB2_1:
0xc: {  	[tilespmem:s2], [sflag:$0x1] =	stream.linear.gather [hbm4b:s3+s2], $0x2000, $0x38;
	[tilespmem:$0x3000] =	vst v63  }
0xd: {  	_ =	swait.ge [sflag:s7], $0x2000  }
0xe: {  	s11 =	simm.s32 $0x380;
	s12 =	simm.s32 $0x2880;
	[sflag:s7] =	ssyncset.done $0x0  }
0xf: {  	s13 =	simm.s32 $0x2080;
	s14 =	simm.s32 $0x0;
	[sflag:s7] =	ssyncadd.s32 $0xFFFFE000  }
.LBB2_2:
0x10: {  	v5 =	vmov s11;
	_ =	sdelay $0x3  }
0x11: {  	s15 =	simm.s32 $0x0  }
0x12: {  	v3 =	vld.idx.msk [tilespmem:v5+s15+$0xFFFFFC80 ss:$0x1], $0xffff  }
0x13: {  	v4 =	vld.idx.msk [tilespmem:v5+s15+$0xFFFFFD00 ss:$0x1], $0xffff  }
0x14: {  	v2 =	vmov s13;
	v1 =	vmov s12;
	s16 =	simm.s32 $0x40;
	v6 =	vld.idx.msk [tilespmem:v5+s15+$0xFFFFFD80 ss:$0x1], $0xffff  }
.LBB2_3:
0x15: {  	p0 =	sne.s32 s16, $0x1C0;
	v7 =	vld.idx.msk [tilespmem:v5+s15+$0xFFFFFE00 ss:$0x1], $0xffff  }
0x16: {  	v8 =	vld.idx.msk [tilespmem:v5+s15+$0xFFFFFE80 ss:$0x1], $0xffff  }
0x17: {  	v9 =	vld.idx.msk [tilespmem:v5+s15+$0xFFFFFF00 ss:$0x1], $0xffff  }
0x18: {  	v10 =	vld.idx.msk [tilespmem:v5+s15+$0xFFFFFF80 ss:$0x1], $0xffff  }
0x19: {  	v12 =	vmax.f32 v3, v4;
	v11 =	vld.idx.msk [tilespmem:v5+s15+$0x0 ss:$0x1], $0xffff  }
0x1a: {  	v12 =	vmax.f32 v12, v6  }
0x1b: {  	v12 =	vmax.f32 v12, v7  }
0x1c: {  	v12 =	vmax.f32 v12, v8  }
0x1d: {  	v12 =	vmax.f32 v12, v9  }
0x1e: {  	v12 =	vmax.f32 v12, v10  }
0x1f: {  	v12 =	vmax.f32 v12, v11  }
0x20: {  	vm0 =	veq.f32 v11, v12  }
0x21: {  	v13 =	vsel vm0, $0x7, v0;
	vm0 =	veq.f32 v10, v12  }
0x22: {  	v13 =	vsel vm0, $0x6, v13;
	vm0 =	veq.f32 v9, v12  }
0x23: {  	v13 =	vsel vm0, $0x5, v13;
	vm0 =	veq.f32 v8, v12  }
0x24: {  	v13 =	vsel vm0, $0x4, v13;
	vm0 =	veq.f32 v7, v12  }
0x25: {  	v13 =	vsel vm0, $0x3, v13;
	vm0 =	veq.f32 v6, v12  }
0x26: {  	vm1 =	vne.f32 v3, v12;
	v13 =	vsel vm0, $0x2, v13;
	vm0 =	veq.f32 v4, v12  }
0x27: {  	v13 =	vsel vm0, $0x1, v13;
	vm0 =	vmand vm1, vm0  }
0x28: {  	v13 =	vnsel vm1, $0x0, v13;
	v14 =	vsel vm0, $0xFF800000, v4  }
0x29: {  	vm0 =	veq.s32 v13, $0x0;
	v15 =	vmax.f32 v3, v14;
	vm9 =	veq.s32 v13, $0x5  }
0x2a: {  	vm10 =	veq.s32 v13, $0x6;
	vm8 =	veq.s32 v13, $0x7;
	v14 =	vsel vm0, v14, v15  }
0x2b: {  	vm6 =	vne.s32 v13, $0x7;
	vm0 =	veq.s32 v13, $0x2;
	v14 =	vmax.f32 v14, v6  }
0x2c: {  	vm7 =	vne.s32 v13, $0x6;
	vm3 =	vne.s32 v13, $0x5;
	v15 =	vsel vm0, v15, v14  }
0x2d: {  	vm4 =	vne.s32 v13, $0x4;
	vm0 =	veq.s32 v13, $0x3;
	v15 =	vmax.f32 v15, v7  }
0x2e: {  	vm5 =	vne.s32 v13, $0x3;
	vm2 =	vne.s32 v13, $0x2;
	v14 =	vsel vm0, v14, v15  }
0x2f: {  	vm1 =	veq.s32 v13, $0x4;
	vm0 =	vne.s32 v13, $0x1;
	v14 =	vmax.f32 v14, v8  }
0x30: {  	v15 =	vsel vm1, v15, v14;
	vm1 =	vne.s32 v13, $0x0  }
0x31: {  	v15 =	vmax.f32 v15, v9  }
0x32: {  	v14 =	vsel vm9, v14, v15  }
0x33: {  	v14 =	vmax.f32 v14, v10  }
0x34: {  	v15 =	vsel vm10, v15, v14  }
0x35: {  	v15 =	vmax.f32 v15, v11  }
0x36: {  	v14 =	vsel vm8, v14, v15  }
0x37: {  	vm15 =	veq.f32 v11, v14;
	vm13 =	veq.f32 v10, v14;
	v10 =	vsub.f32 v14, v12  }
0x38: {  	vm14 =	veq.f32 v9, v14;
	vm12 =	veq.f32 v8, v14;
	vm11 =	veq.f32 v7, v14  }
0x39: {  	vm10 =	veq.f32 v6, v14;
	vm8 =	veq.f32 v4, v14;
	v4 =	vmul.f32 $1.442695020e+00, v10  }
0x3a: {  	vm9 =	veq.f32 v3, v14  }
0x3b: {  	(erf) = vpow2.f32 v4;
	_ =	sdelay $0x8  }
0x3c: {  	v3 =	vpop (erf)  }
0x3d: {  	v4 =	vadd.f32 $1.000000000e+00, v3;
	_ =	sdelay $0x1  }
0x3e: {  	(erf) = vrcp.f32 v4;
	_ =	sdelay $0x4  }
0x3f: {  	vm6 =	vmand vm6, vm15  }
0x40: {  	v4 =	vsel vm6, $0x7, v0;
	vm6 =	vmand vm7, vm13  }
0x41: {  	vm3 =	vmand vm3, vm14;
	v4 =	vsel vm6, $0x6, v4  }
0x42: {  	v4 =	vsel vm3, $0x5, v4;
	vm3 =	vmand vm4, vm12  }
0x43: {  	v4 =	vsel vm3, $0x4, v4;
	vm3 =	vmand vm5, vm11;
	v6 =	vpop (erf)  }
0x44: {  	vm2 =	vmand vm2, vm10;
	v4 =	vsel vm3, $0x3, v4;
	v3 =	vmul.f32 v6, v3;
	[tilespmem:v2+s15+$0xFFFFFF80 ss:$0x1] =	vst.idx.msk $0xffff, v6  }
0x45: {  	vm0 =	vmand vm0, vm8;
	v4 =	vsel vm2, $0x2, v4  }
0x46: {  	v4 =	vsel vm0, $0x1, v4;
	vm0 =	vmand vm1, vm9;
	[tilespmem:v2+s15+$0x0 ss:$0x1] =	vst.idx.msk $0xffff, v3  }
.Ltmp0:
0x47: {  	v3 =	vsel vm0, $0x0, v4;
	[tilespmem:v1+s15+$0xFFFFFF80 ss:$0x1] =	vst.idx.msk $0xffff, v13;
	(pc) =	sbr.rel @p0 .LBB2_3-.Ltmp0, $4  }
0x48: {  	[tilespmem:v1+s15+$0x0 ss:$0x1] =	vst.idx.msk $0xffff, v3;
	s15 =	sshra.s32 s16, $0x2  }
0x49: {  	v3 =	vld.idx.msk [tilespmem:v5+s15+$0xFFFFFC80 ss:$0x1], $0xffff  }
0x4a: {  	v4 =	vld.idx.msk [tilespmem:v5+s15+$0xFFFFFD00 ss:$0x1], $0xffff  }
0x4b: {  	s16 =	sadd.s32 $0x40, s16;
	v6 =	vld.idx.msk [tilespmem:v5+s15+$0xFFFFFD80 ss:$0x1], $0xffff  }
0x4c: {  	_ =	sdelay $0x3  }
0x4d: {  	v7 =	vld.idx.msk [tilespmem:v5+s15+$0xFFFFFE00 ss:$0x1], $0xffff  }
0x4e: {  	v8 =	vld.idx.msk [tilespmem:v5+s15+$0xFFFFFE80 ss:$0x1], $0xffff  }
0x4f: {  	v9 =	vld.idx.msk [tilespmem:v5+s15+$0xFFFFFF00 ss:$0x1], $0xffff  }
0x50: {  	v10 =	vld.idx.msk [tilespmem:v5+s15+$0xFFFFFF80 ss:$0x1], $0xffff;
	v11 =	vmax.f32 v3, v4  }
0x51: {  	v58 =	vld.idx.msk [tilespmem:v5+s15+$0x0 ss:$0x1], $0xffff;
	v11 =	vmax.f32 v11, v6  }
0x52: {  	v11 =	vmax.f32 v11, v7  }
0x53: {  	v11 =	vmax.f32 v11, v8  }
0x54: {  	v11 =	vmax.f32 v11, v9  }
0x55: {  	v11 =	vmax.f32 v11, v10  }
0x56: {  	v11 =	vmax.f32 v11, v58  }
0x57: {  	vm0 =	veq.f32 v58, v11  }
0x58: {  	vm14 =	veq.f32 v10, v11;
	v12 =	vsel vm0, $0x7, v0  }
0x59: {  	vm15 =	veq.f32 v9, v11;
	v12 =	vsel vm14, $0x6, v12  }
0x5a: {  	vm4 =	veq.f32 v8, v11;
	v12 =	vsel vm15, $0x5, v12  }
0x5b: {  	vm5 =	veq.f32 v7, v11;
	v12 =	vsel vm4, $0x4, v12  }
0x5c: {  	vm6 =	veq.f32 v6, v11;
	v12 =	vsel vm5, $0x3, v12  }
0x5d: {  	vm7 =	veq.f32 v4, v11;
	vm1 =	vne.f32 v3, v11;
	v12 =	vsel vm6, $0x2, v12  }
0x5e: {  	vm0 =	vmand vm1, vm7;
	v12 =	vsel vm7, $0x1, v12  }
0x5f: {  	v13 =	vsel vm0, $0xFF800000, v4;
	v12 =	vnsel vm1, $0x0, v12  }
0x60: {  	v14 =	vmax.f32 v3, v13;
	vm8 =	veq.s32 v12, $0x0  }
0x61: {  	v13 =	vsel vm8, v13, v14  }
0x62: {  	vm9 =	veq.s32 v12, $0x2;
	v13 =	vmax.f32 v13, v6  }
0x63: {  	v14 =	vsel vm9, v14, v13  }
0x64: {  	vm10 =	veq.s32 v12, $0x3;
	v14 =	vmax.f32 v14, v7  }
0x65: {  	v13 =	vsel vm10, v13, v14  }
0x66: {  	vm11 =	veq.s32 v12, $0x4;
	v13 =	vmax.f32 v13, v8  }
0x67: {  	v14 =	vsel vm11, v14, v13  }
0x68: {  	vm12 =	veq.s32 v12, $0x5;
	v14 =	vmax.f32 v14, v9  }
0x69: {  	v13 =	vsel vm12, v13, v14  }
0x6a: {  	vm13 =	veq.s32 v12, $0x6;
	v13 =	vmax.f32 v13, v10  }
0x6b: {  	v14 =	vsel vm13, v14, v13  }
0x6c: {  	vm14 =	veq.s32 v12, $0x7;
	v14 =	vmax.f32 v14, v58  }
0x6d: {  	v13 =	vsel vm14, v13, v14  }
0x6e: {  	v11 =	vsub.f32 v13, v11;
	_ =	sdelay $0x1  }
0x6f: {  	v11 =	vmul.f32 $1.442695020e+00, v11;
	_ =	sdelay $0x1  }
0x70: {  	(erf) = vpow2.f32 v11;
	_ =	sdelay $0x8  }
0x71: {  	v11 =	vpop (erf)  }
0x72: {  	v59 =	vadd.f32 $1.000000000e+00, v11;
	_ =	sdelay $0x1  }
0x73: {  	(erf) = vrcp.f32 v59;
	_ =	sdelay $0x1  }
0x74: {  	vm15 =	vne.s32 v12, $0x7;
	vm1 =	vne.s32 v12, $0x6;
	vm2 =	vne.s32 v12, $0x5  }
0x75: {  	vm3 =	vne.s32 v12, $0x4;
	vm4 =	vne.s32 v12, $0x3;
	vm5 =	vne.s32 v12, $0x2  }
0x76: {  	vm6 =	vne.s32 v12, $0x1;
	vm7 =	vne.s32 v12, $0x0;
	vm8 =	veq.f32 v58, v13  }
0x77: {  	vm9 =	veq.f32 v10, v13;
	vm10 =	veq.f32 v9, v13;
	vm0 =	vmand vm15, vm8  }
0x78: {  	vm13 =	veq.f32 v7, v13;
	vm12 =	vmand vm1, vm9;
	v60 =	vsel vm0, $0x7, v0  }
0x79: {  	vm8 =	veq.f32 v8, v13;
	vm14 =	vmand vm2, vm10;
	v5 =	vsel vm12, $0x6, v60  }
0x7a: {  	s14 =	sadd.s32 $0x1, s14;
	vm15 =	veq.f32 v6, v13;
	vm9 =	vmand vm3, vm8;
	v5 =	vsel vm14, $0x5, v5  }
0x7b: {  	p0 =	sne.s32 s14, $0x8;
	vm10 =	veq.f32 v4, v13;
	vm11 =	vmand vm4, vm13;
	v61 =	vsel vm9, $0x4, v5;
	v62 =	vpop (erf)  }
.Ltmp1:
0x7c: {  	vm12 =	vmand vm5, vm15;
	v4 =	vsel vm11, $0x3, v61;
	v63 =	vmul.f32 v62, v11;
	(pc) =	sbr.rel @p0 .LBB2_2-.Ltmp1, $4  }
0x7d: {  	vm13 =	veq.f32 v3, v13;
	vm14 =	vmand vm6, vm10;
	v3 =	vsel vm12, $0x2, v4;
	[tilespmem:v2+s15+$0xFFFFFF80 ss:$0x1] =	vst.idx.msk $0xffff, v62  }
0x7e: {  	vm15 =	vmand vm7, vm13;
	v3 =	vsel vm14, $0x1, v3;
	[tilespmem:v2+s15+$0x0 ss:$0x1] =	vst.idx.msk $0xffff, v63  }
0x7f: {  	v2 =	vsel vm15, $0x0, v3;
	[tilespmem:v1+s15+$0xFFFFFF80 ss:$0x1] =	vst.idx.msk $0xffff, v12  }
0x80: {  	s11 =	sadd.s32 $0x400, s11;
	s12 =	sadd.s32 $0x100, s12;
	s13 =	sadd.s32 $0x100, s13;
	[tilespmem:v1+s15+$0x0 ss:$0x1] =	vst.idx.msk $0xffff, v2  }
0x81: {  	[hbm4b:s4+s2] =	stream.linear.scatter [tilespmem:s8], [sflag:$0x1], $0x800, $0x38;
	[tilespmem:$0x3000] =	vst v63  }
0x82: {  	s10 =	sadd.s32 $0x1, s10;
	_ =	swait.ge [sflag:s7], $0x800  }
0x83: {  	p0 =	sne.s32 s10, s6;
	[sflag:s7] =	ssyncset.done $0x0  }
.Ltmp2:
0x84: {  	[sflag:s7] =	ssyncadd.s32 $0xFFFFF800;
	(pc) =	sbr.rel @p0 .LBB2_1-.Ltmp2, $4  }
0x85: {  	[hbm4b:s5+s2] =	stream.linear.scatter [tilespmem:s9], [sflag:$0x1], $0x800, $0x38;
	[tilespmem:$0x3000] =	vst v63  }
0x86: {  	_ =	swait.ge [sflag:s7], $0x800  }
0x87: {  	[sflag:s7] =	ssyncset.done $0x0  }
0x88: {  	[sflag:s7] =	ssyncadd.s32 $0xFFFFF800  }
0x89: {  	_ =	sfence.sel $0x180000  }
0x8a: {  	[bflag:$0x0] =	sbarrier.arrive $0xFFFF  }
0x8b: {  	p0 =	sne.s32 s1, $0x0;
	_ =	strace $0x90000047  }
0x8c: {  	s0 =	sadd.s32 @!p0 $0x100000, s0;
	[bflag:$0x2] =	sbarrier.arrive $0xFFFF  }
0x8d: {  	[sflag:s0] =	ssyncadd.tile.s32 @!p0 $0x1;
	_ =	shalt  }
.Lfunc_end2:
_tile_overlayer_lowered:
.L_overlay_start_2:
0x8e: {  	(tag) =	ssettag $0x2  }
0x8f: {  	s0 =	rddreg [dreg:$0x0];
	s2 =	stileid.u32  }
0x90: {  	s1 =	rddreg [dreg:$0x1];
	p0 =	sne.s32 s2, $0x0  }
0x91: {  	s3 =	rddreg [dreg:$0x2];
	[bflag:$0x3] =	sbarrier.arrive $0xFFFF;
	s2 =	simm.s32 @!p0 $0x1C01  }
0x92: {  	[timem:s3], [sflag:s2] =	dma.local @!p0 [hbm:s0], s1  }
0x93: {  	s0 =	simm.s32 @!p0 $0x1  }
0x94: {  	_ =	swait.ge @!p0 [sflag:s0], s1  }
0x95: {  	s1 =	ssub.s32 @!p0 $0x0, s1;
	[sflag:s0] =	ssyncset.done @!p0 $0x0  }
0x96: {  	[sflag:s0] =	ssyncadd.s32 @!p0 s1  }
0x97: {  	[bflag:$0x3] =	sbarrier.arrive $0xFFFF  }
0x98: {  	_ =	shalt  }

</sc_bundles>
